<compile_context>
chip_gen: v7x
topology: tpu7x:2x2x1
jax: 0.10.2.dev20260603
libtpu: 0.0.44.dev20260713+nightly
codegen_flags: <defaults>
</compile_context>

<pallas_src>
import functools

import jax
import jax.numpy as jnp
from jax import lax
from jax.experimental import pallas as pl
from jax.experimental.pallas import tpu as pltpu
from jax.experimental.pallas import tpu_sc as plsc

NC = 2
NS = 16
NW = NC * NS
CHUNK = 256
NBUF = 5


@functools.lru_cache(maxsize=None)
def _build(b_tot: int, dim: int):
    n_ch = b_tot // (NW * CHUNK)
    assert b_tot == NW * n_ch * CHUNK
    assert n_ch % NBUF == 0
    mesh = plsc.VectorSubcoreMesh(core_axis_name="c", subcore_axis_name="s")

    @functools.partial(
        pl.kernel,
        out_type=jax.ShapeDtypeStruct((b_tot, dim), jnp.float32),
        mesh=mesh,
        compiler_params=pltpu.CompilerParams(use_tc_tiling_on_sc=False),
        scratch_types=(
            [pltpu.VMEM((n_ch, CHUNK), jnp.int32)]
            + [pltpu.VMEM((CHUNK, dim), jnp.float32) for _ in range(NBUF)]
            + [pltpu.SemaphoreType.DMA for _ in range(2 * NBUF)]
        ),
    )
    def gather_kernel(idx_hbm, table_hbm, out_hbm, idx_v, *bufs_and_sems):
        rows = bufs_and_sems[:NBUF]
        gsem = bufs_and_sems[NBUF:2 * NBUF]
        ssem = bufs_and_sems[2 * NBUF:]
        wid = lax.axis_index("s") * NC + lax.axis_index("c")
        row0 = wid * (n_ch * CHUNK)

        pltpu.sync_copy(idx_hbm.at[wid], idx_v)

        def fire_gather(j, b):
            pltpu.async_copy(table_hbm.at[idx_v.at[j]], rows[b], gsem[b])

        def stage(j, b, prefetch):
            pltpu.make_async_copy(
                table_hbm.at[idx_v.at[j]], rows[b], gsem[b]).wait()
            out_slice = out_hbm.at[pl.ds(row0 + j * CHUNK, CHUNK)]
            pltpu.async_copy(rows[b], out_slice, ssem[b])
            if prefetch:
                pltpu.make_async_copy(rows[b], out_slice, ssem[b]).wait()
                fire_gather(j + NBUF, b)

        for b in range(NBUF):
            fire_gather(b, b)

        def outer(o, carry):
            for b in range(NBUF):
                stage(o * NBUF + b, b, True)
            return carry

        lax.fori_loop(0, n_ch // NBUF - 1, outer, 0)
        for b in range(NBUF):
            stage(n_ch - NBUF + b, b, False)
        for b in range(NBUF):
            j = n_ch - NBUF + b
            pltpu.make_async_copy(
                rows[b],
                out_hbm.at[pl.ds(row0 + j * CHUNK, CHUNK)],
                ssem[b]).wait()

    return gather_kernel


def kernel(road_vectors, agent_vectors, emb_weight):
    del road_vectors
    b, n = agent_vectors.shape
    dim = emb_weight.shape[1]
    b_tot = b * n
    idx = agent_vectors.astype(jnp.int32).reshape(
        NW, b_tot // (NW * CHUNK), CHUNK)
    out = _build(b_tot, dim)(idx, emb_weight)
    return out.reshape(b, n, dim)

# --- scband reference (transcript-rebuilt; emitter-appended) ---
"""Pipeline reference for scband-nu-plan-encoder-41884521070732 (READ-ONLY COPY).

The authoritative reference and input builder live on the scoring server;
editing this copy changes nothing except your own understanding.
"""

import jax, jax.numpy as jnp
import numpy as np

VOCAB = 1000000
DIM = 64
B = 1024
N = 200

def setup_inputs(seed: int = 0) -> dict:
    key = jax.random.key(seed)
    k1, k2, k3 = jax.random.split(key, 3)
    road_vectors = jax.random.randint(k1, (B, N), 0, VOCAB, dtype=jnp.int64 if jax.config.jax_enable_x64 else jnp.int32)
    agent_vectors = jax.random.randint(k2, (B, N), 0, VOCAB, dtype=jnp.int64 if jax.config.jax_enable_x64 else jnp.int32)
    emb_weight = jax.random.normal(k3, (VOCAB, DIM), dtype=jnp.float32) * 0.02
    return {"road_vectors": road_vectors, "agent_vectors": agent_vectors, "emb_weight": emb_weight}

def reference(road_vectors, agent_vectors, emb_weight):
    # Faithful translation of NuPlanEncoder.forward:
    # road_embeddings = self.emb(road_vectors)  (computed in original, unused in return)
    road_embeddings = jnp.take(emb_weight, road_vectors, axis=0)
    # original returns self.emb(values); `values` is undefined in source —
    # interpreted as the embedding of agent_vectors (the only remaining tensor).
    out = jnp.take(emb_weight, agent_vectors, axis=0)
    return out

if False:  # reference __main__ guard neutralized (emitter)
    inp = setup_inputs()
    o = reference(**inp)
    print(o.shape)

if __name__ == "__main__":
    import jax
    _d = setup_inputs()
    print(jax.jit(kernel)(*tuple(_d.values())))

</pallas_src>

<mosaic_0001>
#map = affine_map<(d0, d1) -> (0, 0, 0)>
#map1 = affine_map<(d0, d1) -> (0, 0)>
module attributes {stable_mosaic.version = 14 : i64} {
  func.func @gather_kernel(%arg0: i32, %arg1: i32, %arg2: memref<32x25x256xi32, #tpu.memory_space<hbm>>, %arg3: memref<1000000x64xf32, #tpu.memory_space<hbm>>, %arg4: memref<204800x64xf32, #tpu.memory_space<hbm>>, %arg5: memref<25x256xi32, #tpu.memory_space<vmem>>, %arg6: memref<256x64xf32, #tpu.memory_space<vmem>>, %arg7: memref<256x64xf32, #tpu.memory_space<vmem>>, %arg8: memref<256x64xf32, #tpu.memory_space<vmem>>, %arg9: memref<256x64xf32, #tpu.memory_space<vmem>>, %arg10: memref<256x64xf32, #tpu.memory_space<vmem>>, %arg11: memref<!tpu.dma_semaphore, #tpu.memory_space<semaphore_mem>>, %arg12: memref<!tpu.dma_semaphore, #tpu.memory_space<semaphore_mem>>, %arg13: memref<!tpu.dma_semaphore, #tpu.memory_space<semaphore_mem>>, %arg14: memref<!tpu.dma_semaphore, #tpu.memory_space<semaphore_mem>>, %arg15: memref<!tpu.dma_semaphore, #tpu.memory_space<semaphore_mem>>, %arg16: memref<!tpu.dma_semaphore, #tpu.memory_space<semaphore_mem>>, %arg17: memref<!tpu.dma_semaphore, #tpu.memory_space<semaphore_mem>>, %arg18: memref<!tpu.dma_semaphore, #tpu.memory_space<semaphore_mem>>, %arg19: memref<!tpu.dma_semaphore, #tpu.memory_space<semaphore_mem>>, %arg20: memref<!tpu.dma_semaphore, #tpu.memory_space<semaphore_mem>>) attributes {dimension_semantics = [#tpu.dimension_semantics<core_parallel>, #tpu.dimension_semantics<subcore_parallel>], iteration_bounds = array<i64: 2, 16>, scalar_prefetch = 0 : i64, scratch_operands = 16 : i64, tpu.core_type = #tpu.core_type<sc_vector_subcore>, window_params = [{transform_indices = #map}, {transform_indices = #map1}, {transform_indices = #map1}]} {
    %mul3A = arith.constant 2 : i32
    %mul3A_0 = arith.muli %arg1, %mul3A : i32
    %add3A = arith.addi %mul3A_0, %arg0 : i32
    %mul3A_1 = arith.constant 6400 : i32
    %mul3A_2 = arith.muli %add3A, %mul3A_1 : i32
    "tpu.region"() ({
      %run_scoped3A = tpu.sem_alloc : memref<!tpu.dma_semaphore, #tpu.memory_space<semaphore_mem>>
      %dma_start3A_136 = arith.constant 0 : i32
      %dma_start3A_137 = arith.constant 0 : i32
      %dma_start3A_138 = tpu.memref_slice %arg2[%add3A, %dma_start3A_136, %dma_start3A_137] : memref<32x25x256xi32, #tpu.memory_space<hbm>> -> memref<1x25x256xi32, #tpu.memory_space<hbm>>
      %dma_start3A_139 = tpu.memref_squeeze %dma_start3A_138 : memref<1x25x256xi32, #tpu.memory_space<hbm>> -> memref<25x256xi32, #tpu.memory_space<hbm>>
      %dma_start3A_140 = arith.constant 0 : i32
      %dma_start3A_141 = arith.constant 0 : i32
      %dma_start3A_142 = tpu.memref_slice %arg2[%add3A, %dma_start3A_140, %dma_start3A_141] : memref<32x25x256xi32, #tpu.memory_space<hbm>> -> memref<1x25x256xi32, #tpu.memory_space<hbm>>
      %dma_start3A_143 = tpu.memref_squeeze %dma_start3A_142 : memref<1x25x256xi32, #tpu.memory_space<hbm>> -> memref<25x256xi32, #tpu.memory_space<hbm>>
      tpu.enqueue_dma source(%dma_start3A_143 : memref<25x256xi32, #tpu.memory_space<hbm>>) target(%arg5 : memref<25x256xi32, #tpu.memory_space<vmem>>) target_semaphore(%run_scoped3A : memref<!tpu.dma_semaphore, #tpu.memory_space<semaphore_mem>>)
      %dma_wait3A_144 = arith.constant 0 : i32
      %dma_wait3A_145 = arith.constant 0 : i32
      %dma_wait3A_146 = tpu.memref_slice %arg2[%add3A, %dma_wait3A_144, %dma_wait3A_145] : memref<32x25x256xi32, #tpu.memory_space<hbm>> -> memref<1x25x256xi32, #tpu.memory_space<hbm>>
      %dma_wait3A_147 = tpu.memref_squeeze %dma_wait3A_146 : memref<1x25x256xi32, #tpu.memory_space<hbm>> -> memref<25x256xi32, #tpu.memory_space<hbm>>
      %dma_wait3A_148 = arith.constant 0 : i32
      %dma_wait3A_149 = arith.constant 0 : i32
      %dma_wait3A_150 = tpu.memref_slice %arg2[%add3A, %dma_wait3A_148, %dma_wait3A_149] : memref<32x25x256xi32, #tpu.memory_space<hbm>> -> memref<1x25x256xi32, #tpu.memory_space<hbm>>
      %dma_wait3A_151 = tpu.memref_squeeze %dma_wait3A_150 : memref<1x25x256xi32, #tpu.memory_space<hbm>> -> memref<25x256xi32, #tpu.memory_space<hbm>>
      tpu.wait_dma2 semaphore(%run_scoped3A : memref<!tpu.dma_semaphore, #tpu.memory_space<semaphore_mem>>) src(%dma_wait3A_151 : memref<25x256xi32, #tpu.memory_space<hbm>>) dst(%arg5 : memref<25x256xi32, #tpu.memory_space<vmem>>)
      tpu.yield
    }) : () -> ()
    %dma_start3A = arith.constant 0 : i32
    %dma_start3A_3 = arith.constant 0 : i32
    %dma_start3A_4 = tpu.memref_slice %arg5[%dma_start3A, %dma_start3A_3] : memref<25x256xi32, #tpu.memory_space<vmem>> -> memref<1x256xi32, #tpu.memory_space<vmem>>
    %dma_start3A_5 = tpu.memref_squeeze %dma_start3A_4 : memref<1x256xi32, #tpu.memory_space<vmem>> -> memref<256xi32, #tpu.memory_space<vmem>>
    %dma_start3A_6 = arith.constant 0 : i32
    %dma_start3A_7 = arith.constant 0 : i32
    %dma_start3A_8 = tpu.memref_slice %arg3[%dma_start3A_6, %dma_start3A_7] : memref<1000000x64xf32, #tpu.memory_space<hbm>> -> memref<1000000x64xf32, #tpu.memory_space<hbm>>
    tpu.enqueue_indirect_dma source(%dma_start3A_8 : memref<1000000x64xf32, #tpu.memory_space<hbm>>) target(%arg6 : memref<256x64xf32, #tpu.memory_space<vmem>>) offsets(%dma_start3A_5 : memref<256xi32, #tpu.memory_space<vmem>>) semaphore(%arg11 : memref<!tpu.dma_semaphore, #tpu.memory_space<semaphore_mem>>)
    %dma_start3A_9 = arith.constant 1 : i32
    %dma_start3A_10 = arith.constant 0 : i32
    %dma_start3A_11 = tpu.memref_slice %arg5[%dma_start3A_9, %dma_start3A_10] : memref<25x256xi32, #tpu.memory_space<vmem>> -> memref<1x256xi32, #tpu.memory_space<vmem>>
    %dma_start3A_12 = tpu.memref_squeeze %dma_start3A_11 : memref<1x256xi32, #tpu.memory_space<vmem>> -> memref<256xi32, #tpu.memory_space<vmem>>
    %dma_start3A_13 = arith.constant 0 : i32
    %dma_start3A_14 = arith.constant 0 : i32
    %dma_start3A_15 = tpu.memref_slice %arg3[%dma_start3A_13, %dma_start3A_14] : memref<1000000x64xf32, #tpu.memory_space<hbm>> -> memref<1000000x64xf32, #tpu.memory_space<hbm>>
    tpu.enqueue_indirect_dma source(%dma_start3A_15 : memref<1000000x64xf32, #tpu.memory_space<hbm>>) target(%arg7 : memref<256x64xf32, #tpu.memory_space<vmem>>) offsets(%dma_start3A_12 : memref<256xi32, #tpu.memory_space<vmem>>) semaphore(%arg12 : memref<!tpu.dma_semaphore, #tpu.memory_space<semaphore_mem>>)
    %dma_start3A_16 = arith.constant 2 : i32
    %dma_start3A_17 = arith.constant 0 : i32
    %dma_start3A_18 = tpu.memref_slice %arg5[%dma_start3A_16, %dma_start3A_17] : memref<25x256xi32, #tpu.memory_space<vmem>> -> memref<1x256xi32, #tpu.memory_space<vmem>>
    %dma_start3A_19 = tpu.memref_squeeze %dma_start3A_18 : memref<1x256xi32, #tpu.memory_space<vmem>> -> memref<256xi32, #tpu.memory_space<vmem>>
    %dma_start3A_20 = arith.constant 0 : i32
    %dma_start3A_21 = arith.constant 0 : i32
    %dma_start3A_22 = tpu.memref_slice %arg3[%dma_start3A_20, %dma_start3A_21] : memref<1000000x64xf32, #tpu.memory_space<hbm>> -> memref<1000000x64xf32, #tpu.memory_space<hbm>>
    tpu.enqueue_indirect_dma source(%dma_start3A_22 : memref<1000000x64xf32, #tpu.memory_space<hbm>>) target(%arg8 : memref<256x64xf32, #tpu.memory_space<vmem>>) offsets(%dma_start3A_19 : memref<256xi32, #tpu.memory_space<vmem>>) semaphore(%arg13 : memref<!tpu.dma_semaphore, #tpu.memory_space<semaphore_mem>>)
    %dma_start3A_23 = arith.constant 3 : i32
    %dma_start3A_24 = arith.constant 0 : i32
    %dma_start3A_25 = tpu.memref_slice %arg5[%dma_start3A_23, %dma_start3A_24] : memref<25x256xi32, #tpu.memory_space<vmem>> -> memref<1x256xi32, #tpu.memory_space<vmem>>
    %dma_start3A_26 = tpu.memref_squeeze %dma_start3A_25 : memref<1x256xi32, #tpu.memory_space<vmem>> -> memref<256xi32, #tpu.memory_space<vmem>>
    %dma_start3A_27 = arith.constant 0 : i32
    %dma_start3A_28 = arith.constant 0 : i32
    %dma_start3A_29 = tpu.memref_slice %arg3[%dma_start3A_27, %dma_start3A_28] : memref<1000000x64xf32, #tpu.memory_space<hbm>> -> memref<1000000x64xf32, #tpu.memory_space<hbm>>
    tpu.enqueue_indirect_dma source(%dma_start3A_29 : memref<1000000x64xf32, #tpu.memory_space<hbm>>) target(%arg9 : memref<256x64xf32, #tpu.memory_space<vmem>>) offsets(%dma_start3A_26 : memref<256xi32, #tpu.memory_space<vmem>>) semaphore(%arg14 : memref<!tpu.dma_semaphore, #tpu.memory_space<semaphore_mem>>)
    %dma_start3A_30 = arith.constant 4 : i32
    %dma_start3A_31 = arith.constant 0 : i32
    %dma_start3A_32 = tpu.memref_slice %arg5[%dma_start3A_30, %dma_start3A_31] : memref<25x256xi32, #tpu.memory_space<vmem>> -> memref<1x256xi32, #tpu.memory_space<vmem>>
    %dma_start3A_33 = tpu.memref_squeeze %dma_start3A_32 : memref<1x256xi32, #tpu.memory_space<vmem>> -> memref<256xi32, #tpu.memory_space<vmem>>
    %dma_start3A_34 = arith.constant 0 : i32
    %dma_start3A_35 = arith.constant 0 : i32
    %dma_start3A_36 = tpu.memref_slice %arg3[%dma_start3A_34, %dma_start3A_35] : memref<1000000x64xf32, #tpu.memory_space<hbm>> -> memref<1000000x64xf32, #tpu.memory_space<hbm>>
    tpu.enqueue_indirect_dma source(%dma_start3A_36 : memref<1000000x64xf32, #tpu.memory_space<hbm>>) target(%arg10 : memref<256x64xf32, #tpu.memory_space<vmem>>) offsets(%dma_start3A_33 : memref<256xi32, #tpu.memory_space<vmem>>) semaphore(%arg15 : memref<!tpu.dma_semaphore, #tpu.memory_space<semaphore_mem>>)
    %scan3A = arith.constant 0 : i32
    %scan3A_37 = arith.constant 0 : i32
    %scan3A_38 = arith.constant 4 : i32
    %scan3A_39 = arith.addi %scan3A_37, %scan3A_38 : i32
    %scan3A_40 = arith.constant 1 : i32
    scf.for %scan3A_136 = %scan3A_37 to %scan3A_39 step %scan3A_40  : i32 {
      %mul3A_137 = arith.constant 5 : i32
      %mul3A_138 = arith.muli %scan3A_136, %mul3A_137 : i32
      %add3A_139 = arith.constant 0 : i32
      %add3A_140 = arith.addi %mul3A_138, %add3A_139 : i32
      %dma_wait3A_141 = arith.constant 0 : i32
      %dma_wait3A_142 = tpu.memref_slice %arg5[%add3A_140, %dma_wait3A_141] : memref<25x256xi32, #tpu.memory_space<vmem>> -> memref<1x256xi32, #tpu.memory_space<vmem>>
      %dma_wait3A_143 = tpu.memref_squeeze %dma_wait3A_142 : memref<1x256xi32, #tpu.memory_space<vmem>> -> memref<256xi32, #tpu.memory_space<vmem>>
      %dma_wait3A_144 = arith.constant 0 : i32
      %dma_wait3A_145 = arith.constant 0 : i32
      %dma_wait3A_146 = tpu.memref_slice %arg3[%dma_wait3A_144, %dma_wait3A_145] : memref<1000000x64xf32, #tpu.memory_space<hbm>> -> memref<1000000x64xf32, #tpu.memory_space<hbm>>
      tpu.wait_indirect_dma semaphore(%arg11 : memref<!tpu.dma_semaphore, #tpu.memory_space<semaphore_mem>>) src(%dma_wait3A_146 : memref<1000000x64xf32, #tpu.memory_space<hbm>>) dst(%arg6 : memref<256x64xf32, #tpu.memory_space<vmem>>)
      %mul3A_147 = arith.constant 256 : i32
      %mul3A_148 = arith.muli %add3A_140, %mul3A_147 : i32
      %add3A_149 = arith.addi %mul3A_2, %mul3A_148 : i32
      %dma_start3A_150 = arith.constant 0 : i32
      %dma_start3A_151 = tpu.memref_slice %arg4[%add3A_149, %dma_start3A_150] : memref<204800x64xf32, #tpu.memory_space<hbm>> -> memref<256x64xf32, #tpu.memory_space<hbm>>
      %dma_start3A_152 = arith.constant 0 : i32
      %dma_start3A_153 = tpu.memref_slice %arg4[%add3A_149, %dma_start3A_152] : memref<204800x64xf32, #tpu.memory_space<hbm>> -> memref<256x64xf32, #tpu.memory_space<hbm>>
      tpu.enqueue_dma source(%arg6 : memref<256x64xf32, #tpu.memory_space<vmem>>) target(%dma_start3A_153 : memref<256x64xf32, #tpu.memory_space<hbm>>) target_semaphore(%arg16 : memref<!tpu.dma_semaphore, #tpu.memory_space<semaphore_mem>>)
      %dma_wait3A_154 = arith.constant 0 : i32
      %dma_wait3A_155 = tpu.memref_slice %arg4[%add3A_149, %dma_wait3A_154] : memref<204800x64xf32, #tpu.memory_space<hbm>> -> memref<256x64xf32, #tpu.memory_space<hbm>>
      %dma_wait3A_156 = arith.constant 0 : i32
      %dma_wait3A_157 = tpu.memref_slice %arg4[%add3A_149, %dma_wait3A_156] : memref<204800x64xf32, #tpu.memory_space<hbm>> -> memref<256x64xf32, #tpu.memory_space<hbm>>
      tpu.wait_dma2 semaphore(%arg16 : memref<!tpu.dma_semaphore, #tpu.memory_space<semaphore_mem>>) src(%arg6 : memref<256x64xf32, #tpu.memory_space<vmem>>) dst(%dma_wait3A_157 : memref<256x64xf32, #tpu.memory_space<hbm>>)
      %add3A_158 = arith.constant 5 : i32
      %add3A_159 = arith.addi %add3A_140, %add3A_158 : i32
      %dma_start3A_160 = arith.constant 0 : i32
      %dma_start3A_161 = tpu.memref_slice %arg5[%add3A_159, %dma_start3A_160] : memref<25x256xi32, #tpu.memory_space<vmem>> -> memref<1x256xi32, #tpu.memory_space<vmem>>
      %dma_start3A_162 = tpu.memref_squeeze %dma_start3A_161 : memref<1x256xi32, #tpu.memory_space<vmem>> -> memref<256xi32, #tpu.memory_space<vmem>>
      %dma_start3A_163 = arith.constant 0 : i32
      %dma_start3A_164 = arith.constant 0 : i32
      %dma_start3A_165 = tpu.memref_slice %arg3[%dma_start3A_163, %dma_start3A_164] : memref<1000000x64xf32, #tpu.memory_space<hbm>> -> memref<1000000x64xf32, #tpu.memory_space<hbm>>
      tpu.enqueue_indirect_dma source(%dma_start3A_165 : memref<1000000x64xf32, #tpu.memory_space<hbm>>) target(%arg6 : memref<256x64xf32, #tpu.memory_space<vmem>>) offsets(%dma_start3A_162 : memref<256xi32, #tpu.memory_space<vmem>>) semaphore(%arg11 : memref<!tpu.dma_semaphore, #tpu.memory_space<semaphore_mem>>)
      %mul3A_166 = arith.constant 5 : i32
      %mul3A_167 = arith.muli %scan3A_136, %mul3A_166 : i32
      %add3A_168 = arith.constant 1 : i32
      %add3A_169 = arith.addi %mul3A_167, %add3A_168 : i32
      %dma_wait3A_170 = arith.constant 0 : i32
      %dma_wait3A_171 = tpu.memref_slice %arg5[%add3A_169, %dma_wait3A_170] : memref<25x256xi32, #tpu.memory_space<vmem>> -> memref<1x256xi32, #tpu.memory_space<vmem>>
      %dma_wait3A_172 = tpu.memref_squeeze %dma_wait3A_171 : memref<1x256xi32, #tpu.memory_space<vmem>> -> memref<256xi32, #tpu.memory_space<vmem>>
      %dma_wait3A_173 = arith.constant 0 : i32
      %dma_wait3A_174 = arith.constant 0 : i32
      %dma_wait3A_175 = tpu.memref_slice %arg3[%dma_wait3A_173, %dma_wait3A_174] : memref<1000000x64xf32, #tpu.memory_space<hbm>> -> memref<1000000x64xf32, #tpu.memory_space<hbm>>
      tpu.wait_indirect_dma semaphore(%arg12 : memref<!tpu.dma_semaphore, #tpu.memory_space<semaphore_mem>>) src(%dma_wait3A_175 : memref<1000000x64xf32, #tpu.memory_space<hbm>>) dst(%arg7 : memref<256x64xf32, #tpu.memory_space<vmem>>)
      %mul3A_176 = arith.constant 256 : i32
      %mul3A_177 = arith.muli %add3A_169, %mul3A_176 : i32
      %add3A_178 = arith.addi %mul3A_2, %mul3A_177 : i32
      %dma_start3A_179 = arith.constant 0 : i32
      %dma_start3A_180 = tpu.memref_slice %arg4[%add3A_178, %dma_start3A_179] : memref<204800x64xf32, #tpu.memory_space<hbm>> -> memref<256x64xf32, #tpu.memory_space<hbm>>
      %dma_start3A_181 = arith.constant 0 : i32
      %dma_start3A_182 = tpu.memref_slice %arg4[%add3A_178, %dma_start3A_181] : memref<204800x64xf32, #tpu.memory_space<hbm>> -> memref<256x64xf32, #tpu.memory_space<hbm>>
      tpu.enqueue_dma source(%arg7 : memref<256x64xf32, #tpu.memory_space<vmem>>) target(%dma_start3A_182 : memref<256x64xf32, #tpu.memory_space<hbm>>) target_semaphore(%arg17 : memref<!tpu.dma_semaphore, #tpu.memory_space<semaphore_mem>>)
      %dma_wait3A_183 = arith.constant 0 : i32
      %dma_wait3A_184 = tpu.memref_slice %arg4[%add3A_178, %dma_wait3A_183] : memref<204800x64xf32, #tpu.memory_space<hbm>> -> memref<256x64xf32, #tpu.memory_space<hbm>>
      %dma_wait3A_185 = arith.constant 0 : i32
      %dma_wait3A_186 = tpu.memref_slice %arg4[%add3A_178, %dma_wait3A_185] : memref<204800x64xf32, #tpu.memory_space<hbm>> -> memref<256x64xf32, #tpu.memory_space<hbm>>
      tpu.wait_dma2 semaphore(%arg17 : memref<!tpu.dma_semaphore, #tpu.memory_space<semaphore_mem>>) src(%arg7 : memref<256x64xf32, #tpu.memory_space<vmem>>) dst(%dma_wait3A_186 : memref<256x64xf32, #tpu.memory_space<hbm>>)
      %add3A_187 = arith.constant 5 : i32
      %add3A_188 = arith.addi %add3A_169, %add3A_187 : i32
      %dma_start3A_189 = arith.constant 0 : i32
      %dma_start3A_190 = tpu.memref_slice %arg5[%add3A_188, %dma_start3A_189] : memref<25x256xi32, #tpu.memory_space<vmem>> -> memref<1x256xi32, #tpu.memory_space<vmem>>
      %dma_start3A_191 = tpu.memref_squeeze %dma_start3A_190 : memref<1x256xi32, #tpu.memory_space<vmem>> -> memref<256xi32, #tpu.memory_space<vmem>>
      %dma_start3A_192 = arith.constant 0 : i32
      %dma_start3A_193 = arith.constant 0 : i32
      %dma_start3A_194 = tpu.memref_slice %arg3[%dma_start3A_192, %dma_start3A_193] : memref<1000000x64xf32, #tpu.memory_space<hbm>> -> memref<1000000x64xf32, #tpu.memory_space<hbm>>
      tpu.enqueue_indirect_dma source(%dma_start3A_194 : memref<1000000x64xf32, #tpu.memory_space<hbm>>) target(%arg7 : memref<256x64xf32, #tpu.memory_space<vmem>>) offsets(%dma_start3A_191 : memref<256xi32, #tpu.memory_space<vmem>>) semaphore(%arg12 : memref<!tpu.dma_semaphore, #tpu.memory_space<semaphore_mem>>)
      %mul3A_195 = arith.constant 5 : i32
      %mul3A_196 = arith.muli %scan3A_136, %mul3A_195 : i32
      %add3A_197 = arith.constant 2 : i32
      %add3A_198 = arith.addi %mul3A_196, %add3A_197 : i32
      %dma_wait3A_199 = arith.constant 0 : i32
      %dma_wait3A_200 = tpu.memref_slice %arg5[%add3A_198, %dma_wait3A_199] : memref<25x256xi32, #tpu.memory_space<vmem>> -> memref<1x256xi32, #tpu.memory_space<vmem>>
      %dma_wait3A_201 = tpu.memref_squeeze %dma_wait3A_200 : memref<1x256xi32, #tpu.memory_space<vmem>> -> memref<256xi32, #tpu.memory_space<vmem>>
      %dma_wait3A_202 = arith.constant 0 : i32
      %dma_wait3A_203 = arith.constant 0 : i32
      %dma_wait3A_204 = tpu.memref_slice %arg3[%dma_wait3A_202, %dma_wait3A_203] : memref<1000000x64xf32, #tpu.memory_space<hbm>> -> memref<1000000x64xf32, #tpu.memory_space<hbm>>
      tpu.wait_indirect_dma semaphore(%arg13 : memref<!tpu.dma_semaphore, #tpu.memory_space<semaphore_mem>>) src(%dma_wait3A_204 : memref<1000000x64xf32, #tpu.memory_space<hbm>>) dst(%arg8 : memref<256x64xf32, #tpu.memory_space<vmem>>)
      %mul3A_205 = arith.constant 256 : i32
      %mul3A_206 = arith.muli %add3A_198, %mul3A_205 : i32
      %add3A_207 = arith.addi %mul3A_2, %mul3A_206 : i32
      %dma_start3A_208 = arith.constant 0 : i32
      %dma_start3A_209 = tpu.memref_slice %arg4[%add3A_207, %dma_start3A_208] : memref<204800x64xf32, #tpu.memory_space<hbm>> -> memref<256x64xf32, #tpu.memory_space<hbm>>
      %dma_start3A_210 = arith.constant 0 : i32
      %dma_start3A_211 = tpu.memref_slice %arg4[%add3A_207, %dma_start3A_210] : memref<204800x64xf32, #tpu.memory_space<hbm>> -> memref<256x64xf32, #tpu.memory_space<hbm>>
      tpu.enqueue_dma source(%arg8 : memref<256x64xf32, #tpu.memory_space<vmem>>) target(%dma_start3A_211 : memref<256x64xf32, #tpu.memory_space<hbm>>) target_semaphore(%arg18 : memref<!tpu.dma_semaphore, #tpu.memory_space<semaphore_mem>>)
      %dma_wait3A_212 = arith.constant 0 : i32
      %dma_wait3A_213 = tpu.memref_slice %arg4[%add3A_207, %dma_wait3A_212] : memref<204800x64xf32, #tpu.memory_space<hbm>> -> memref<256x64xf32, #tpu.memory_space<hbm>>
      %dma_wait3A_214 = arith.constant 0 : i32
      %dma_wait3A_215 = tpu.memref_slice %arg4[%add3A_207, %dma_wait3A_214] : memref<204800x64xf32, #tpu.memory_space<hbm>> -> memref<256x64xf32, #tpu.memory_space<hbm>>
      tpu.wait_dma2 semaphore(%arg18 : memref<!tpu.dma_semaphore, #tpu.memory_space<semaphore_mem>>) src(%arg8 : memref<256x64xf32, #tpu.memory_space<vmem>>) dst(%dma_wait3A_215 : memref<256x64xf32, #tpu.memory_space<hbm>>)
      %add3A_216 = arith.constant 5 : i32
      %add3A_217 = arith.addi %add3A_198, %add3A_216 : i32
      %dma_start3A_218 = arith.constant 0 : i32
      %dma_start3A_219 = tpu.memref_slice %arg5[%add3A_217, %dma_start3A_218] : memref<25x256xi32, #tpu.memory_space<vmem>> -> memref<1x256xi32, #tpu.memory_space<vmem>>
      %dma_start3A_220 = tpu.memref_squeeze %dma_start3A_219 : memref<1x256xi32, #tpu.memory_space<vmem>> -> memref<256xi32, #tpu.memory_space<vmem>>
      %dma_start3A_221 = arith.constant 0 : i32
      %dma_start3A_222 = arith.constant 0 : i32
      %dma_start3A_223 = tpu.memref_slice %arg3[%dma_start3A_221, %dma_start3A_222] : memref<1000000x64xf32, #tpu.memory_space<hbm>> -> memref<1000000x64xf32, #tpu.memory_space<hbm>>
      tpu.enqueue_indirect_dma source(%dma_start3A_223 : memref<1000000x64xf32, #tpu.memory_space<hbm>>) target(%arg8 : memref<256x64xf32, #tpu.memory_space<vmem>>) offsets(%dma_start3A_220 : memref<256xi32, #tpu.memory_space<vmem>>) semaphore(%arg13 : memref<!tpu.dma_semaphore, #tpu.memory_space<semaphore_mem>>)
      %mul3A_224 = arith.constant 5 : i32
      %mul3A_225 = arith.muli %scan3A_136, %mul3A_224 : i32
      %add3A_226 = arith.constant 3 : i32
      %add3A_227 = arith.addi %mul3A_225, %add3A_226 : i32
      %dma_wait3A_228 = arith.constant 0 : i32
      %dma_wait3A_229 = tpu.memref_slice %arg5[%add3A_227, %dma_wait3A_228] : memref<25x256xi32, #tpu.memory_space<vmem>> -> memref<1x256xi32, #tpu.memory_space<vmem>>
      %dma_wait3A_230 = tpu.memref_squeeze %dma_wait3A_229 : memref<1x256xi32, #tpu.memory_space<vmem>> -> memref<256xi32, #tpu.memory_space<vmem>>
      %dma_wait3A_231 = arith.constant 0 : i32
      %dma_wait3A_232 = arith.constant 0 : i32
      %dma_wait3A_233 = tpu.memref_slice %arg3[%dma_wait3A_231, %dma_wait3A_232] : memref<1000000x64xf32, #tpu.memory_space<hbm>> -> memref<1000000x64xf32, #tpu.memory_space<hbm>>
      tpu.wait_indirect_dma semaphore(%arg14 : memref<!tpu.dma_semaphore, #tpu.memory_space<semaphore_mem>>) src(%dma_wait3A_233 : memref<1000000x64xf32, #tpu.memory_space<hbm>>) dst(%arg9 : memref<256x64xf32, #tpu.memory_space<vmem>>)
      %mul3A_234 = arith.constant 256 : i32
      %mul3A_235 = arith.muli %add3A_227, %mul3A_234 : i32
      %add3A_236 = arith.addi %mul3A_2, %mul3A_235 : i32
      %dma_start3A_237 = arith.constant 0 : i32
      %dma_start3A_238 = tpu.memref_slice %arg4[%add3A_236, %dma_start3A_237] : memref<204800x64xf32, #tpu.memory_space<hbm>> -> memref<256x64xf32, #tpu.memory_space<hbm>>
      %dma_start3A_239 = arith.constant 0 : i32
      %dma_start3A_240 = tpu.memref_slice %arg4[%add3A_236, %dma_start3A_239] : memref<204800x64xf32, #tpu.memory_space<hbm>> -> memref<256x64xf32, #tpu.memory_space<hbm>>
      tpu.enqueue_dma source(%arg9 : memref<256x64xf32, #tpu.memory_space<vmem>>) target(%dma_start3A_240 : memref<256x64xf32, #tpu.memory_space<hbm>>) target_semaphore(%arg19 : memref<!tpu.dma_semaphore, #tpu.memory_space<semaphore_mem>>)
      %dma_wait3A_241 = arith.constant 0 : i32
      %dma_wait3A_242 = tpu.memref_slice %arg4[%add3A_236, %dma_wait3A_241] : memref<204800x64xf32, #tpu.memory_space<hbm>> -> memref<256x64xf32, #tpu.memory_space<hbm>>
      %dma_wait3A_243 = arith.constant 0 : i32
      %dma_wait3A_244 = tpu.memref_slice %arg4[%add3A_236, %dma_wait3A_243] : memref<204800x64xf32, #tpu.memory_space<hbm>> -> memref<256x64xf32, #tpu.memory_space<hbm>>
      tpu.wait_dma2 semaphore(%arg19 : memref<!tpu.dma_semaphore, #tpu.memory_space<semaphore_mem>>) src(%arg9 : memref<256x64xf32, #tpu.memory_space<vmem>>) dst(%dma_wait3A_244 : memref<256x64xf32, #tpu.memory_space<hbm>>)
      %add3A_245 = arith.constant 5 : i32
      %add3A_246 = arith.addi %add3A_227, %add3A_245 : i32
      %dma_start3A_247 = arith.constant 0 : i32
      %dma_start3A_248 = tpu.memref_slice %arg5[%add3A_246, %dma_start3A_247] : memref<25x256xi32, #tpu.memory_space<vmem>> -> memref<1x256xi32, #tpu.memory_space<vmem>>
      %dma_start3A_249 = tpu.memref_squeeze %dma_start3A_248 : memref<1x256xi32, #tpu.memory_space<vmem>> -> memref<256xi32, #tpu.memory_space<vmem>>
      %dma_start3A_250 = arith.constant 0 : i32
      %dma_start3A_251 = arith.constant 0 : i32
      %dma_start3A_252 = tpu.memref_slice %arg3[%dma_start3A_250, %dma_start3A_251] : memref<1000000x64xf32, #tpu.memory_space<hbm>> -> memref<1000000x64xf32, #tpu.memory_space<hbm>>
      tpu.enqueue_indirect_dma source(%dma_start3A_252 : memref<1000000x64xf32, #tpu.memory_space<hbm>>) target(%arg9 : memref<256x64xf32, #tpu.memory_space<vmem>>) offsets(%dma_start3A_249 : memref<256xi32, #tpu.memory_space<vmem>>) semaphore(%arg14 : memref<!tpu.dma_semaphore, #tpu.memory_space<semaphore_mem>>)
      %mul3A_253 = arith.constant 5 : i32
      %mul3A_254 = arith.muli %scan3A_136, %mul3A_253 : i32
      %add3A_255 = arith.constant 4 : i32
      %add3A_256 = arith.addi %mul3A_254, %add3A_255 : i32
      %dma_wait3A_257 = arith.constant 0 : i32
      %dma_wait3A_258 = tpu.memref_slice %arg5[%add3A_256, %dma_wait3A_257] : memref<25x256xi32, #tpu.memory_space<vmem>> -> memref<1x256xi32, #tpu.memory_space<vmem>>
      %dma_wait3A_259 = tpu.memref_squeeze %dma_wait3A_258 : memref<1x256xi32, #tpu.memory_space<vmem>> -> memref<256xi32, #tpu.memory_space<vmem>>
      %dma_wait3A_260 = arith.constant 0 : i32
      %dma_wait3A_261 = arith.constant 0 : i32
      %dma_wait3A_262 = tpu.memref_slice %arg3[%dma_wait3A_260, %dma_wait3A_261] : memref<1000000x64xf32, #tpu.memory_space<hbm>> -> memref<1000000x64xf32, #tpu.memory_space<hbm>>
      tpu.wait_indirect_dma semaphore(%arg15 : memref<!tpu.dma_semaphore, #tpu.memory_space<semaphore_mem>>) src(%dma_wait3A_262 : memref<1000000x64xf32, #tpu.memory_space<hbm>>) dst(%arg10 : memref<256x64xf32, #tpu.memory_space<vmem>>)
      %mul3A_263 = arith.constant 256 : i32
      %mul3A_264 = arith.muli %add3A_256, %mul3A_263 : i32
      %add3A_265 = arith.addi %mul3A_2, %mul3A_264 : i32
      %dma_start3A_266 = arith.constant 0 : i32
      %dma_start3A_267 = tpu.memref_slice %arg4[%add3A_265, %dma_start3A_266] : memref<204800x64xf32, #tpu.memory_space<hbm>> -> memref<256x64xf32, #tpu.memory_space<hbm>>
      %dma_start3A_268 = arith.constant 0 : i32
      %dma_start3A_269 = tpu.memref_slice %arg4[%add3A_265, %dma_start3A_268] : memref<204800x64xf32, #tpu.memory_space<hbm>> -> memref<256x64xf32, #tpu.memory_space<hbm>>
      tpu.enqueue_dma source(%arg10 : memref<256x64xf32, #tpu.memory_space<vmem>>) target(%dma_start3A_269 : memref<256x64xf32, #tpu.memory_space<hbm>>) target_semaphore(%arg20 : memref<!tpu.dma_semaphore, #tpu.memory_space<semaphore_mem>>)
      %dma_wait3A_270 = arith.constant 0 : i32
      %dma_wait3A_271 = tpu.memref_slice %arg4[%add3A_265, %dma_wait3A_270] : memref<204800x64xf32, #tpu.memory_space<hbm>> -> memref<256x64xf32, #tpu.memory_space<hbm>>
      %dma_wait3A_272 = arith.constant 0 : i32
      %dma_wait3A_273 = tpu.memref_slice %arg4[%add3A_265, %dma_wait3A_272] : memref<204800x64xf32, #tpu.memory_space<hbm>> -> memref<256x64xf32, #tpu.memory_space<hbm>>
      tpu.wait_dma2 semaphore(%arg20 : memref<!tpu.dma_semaphore, #tpu.memory_space<semaphore_mem>>) src(%arg10 : memref<256x64xf32, #tpu.memory_space<vmem>>) dst(%dma_wait3A_273 : memref<256x64xf32, #tpu.memory_space<hbm>>)
      %add3A_274 = arith.constant 5 : i32
      %add3A_275 = arith.addi %add3A_256, %add3A_274 : i32
      %dma_start3A_276 = arith.constant 0 : i32
      %dma_start3A_277 = tpu.memref_slice %arg5[%add3A_275, %dma_start3A_276] : memref<25x256xi32, #tpu.memory_space<vmem>> -> memref<1x256xi32, #tpu.memory_space<vmem>>
      %dma_start3A_278 = tpu.memref_squeeze %dma_start3A_277 : memref<1x256xi32, #tpu.memory_space<vmem>> -> memref<256xi32, #tpu.memory_space<vmem>>
      %dma_start3A_279 = arith.constant 0 : i32
      %dma_start3A_280 = arith.constant 0 : i32
      %dma_start3A_281 = tpu.memref_slice %arg3[%dma_start3A_279, %dma_start3A_280] : memref<1000000x64xf32, #tpu.memory_space<hbm>> -> memref<1000000x64xf32, #tpu.memory_space<hbm>>
      tpu.enqueue_indirect_dma source(%dma_start3A_281 : memref<1000000x64xf32, #tpu.memory_space<hbm>>) target(%arg10 : memref<256x64xf32, #tpu.memory_space<vmem>>) offsets(%dma_start3A_278 : memref<256xi32, #tpu.memory_space<vmem>>) semaphore(%arg15 : memref<!tpu.dma_semaphore, #tpu.memory_space<semaphore_mem>>)
    }
    %scan3A_41 = arith.constant 4 : i32
    %dma_wait3A = arith.constant 20 : i32
    %dma_wait3A_42 = arith.constant 0 : i32
    %dma_wait3A_43 = tpu.memref_slice %arg5[%dma_wait3A, %dma_wait3A_42] : memref<25x256xi32, #tpu.memory_space<vmem>> -> memref<1x256xi32, #tpu.memory_space<vmem>>
    %dma_wait3A_44 = tpu.memref_squeeze %dma_wait3A_43 : memref<1x256xi32, #tpu.memory_space<vmem>> -> memref<256xi32, #tpu.memory_space<vmem>>
    %dma_wait3A_45 = arith.constant 0 : i32
    %dma_wait3A_46 = arith.constant 0 : i32
    %dma_wait3A_47 = tpu.memref_slice %arg3[%dma_wait3A_45, %dma_wait3A_46] : memref<1000000x64xf32, #tpu.memory_space<hbm>> -> memref<1000000x64xf32, #tpu.memory_space<hbm>>
    tpu.wait_indirect_dma semaphore(%arg11 : memref<!tpu.dma_semaphore, #tpu.memory_space<semaphore_mem>>) src(%dma_wait3A_47 : memref<1000000x64xf32, #tpu.memory_space<hbm>>) dst(%arg6 : memref<256x64xf32, #tpu.memory_space<vmem>>)
    %add3A_48 = arith.constant 5120 : i32
    %add3A_49 = arith.addi %mul3A_2, %add3A_48 : i32
    %dma_start3A_50 = arith.constant 0 : i32
    %dma_start3A_51 = tpu.memref_slice %arg4[%add3A_49, %dma_start3A_50] : memref<204800x64xf32, #tpu.memory_space<hbm>> -> memref<256x64xf32, #tpu.memory_space<hbm>>
    %dma_start3A_52 = arith.constant 0 : i32
    %dma_start3A_53 = tpu.memref_slice %arg4[%add3A_49, %dma_start3A_52] : memref<204800x64xf32, #tpu.memory_space<hbm>> -> memref<256x64xf32, #tpu.memory_space<hbm>>
    tpu.enqueue_dma source(%arg6 : memref<256x64xf32, #tpu.memory_space<vmem>>) target(%dma_start3A_53 : memref<256x64xf32, #tpu.memory_space<hbm>>) target_semaphore(%arg16 : memref<!tpu.dma_semaphore, #tpu.memory_space<semaphore_mem>>)
    %dma_wait3A_54 = arith.constant 21 : i32
    %dma_wait3A_55 = arith.constant 0 : i32
    %dma_wait3A_56 = tpu.memref_slice %arg5[%dma_wait3A_54, %dma_wait3A_55] : memref<25x256xi32, #tpu.memory_space<vmem>> -> memref<1x256xi32, #tpu.memory_space<vmem>>
    %dma_wait3A_57 = tpu.memref_squeeze %dma_wait3A_56 : memref<1x256xi32, #tpu.memory_space<vmem>> -> memref<256xi32, #tpu.memory_space<vmem>>
    %dma_wait3A_58 = arith.constant 0 : i32
    %dma_wait3A_59 = arith.constant 0 : i32
    %dma_wait3A_60 = tpu.memref_slice %arg3[%dma_wait3A_58, %dma_wait3A_59] : memref<1000000x64xf32, #tpu.memory_space<hbm>> -> memref<1000000x64xf32, #tpu.memory_space<hbm>>
    tpu.wait_indirect_dma semaphore(%arg12 : memref<!tpu.dma_semaphore, #tpu.memory_space<semaphore_mem>>) src(%dma_wait3A_60 : memref<1000000x64xf32, #tpu.memory_space<hbm>>) dst(%arg7 : memref<256x64xf32, #tpu.memory_space<vmem>>)
    %add3A_61 = arith.constant 5376 : i32
    %add3A_62 = arith.addi %mul3A_2, %add3A_61 : i32
    %dma_start3A_63 = arith.constant 0 : i32
    %dma_start3A_64 = tpu.memref_slice %arg4[%add3A_62, %dma_start3A_63] : memref<204800x64xf32, #tpu.memory_space<hbm>> -> memref<256x64xf32, #tpu.memory_space<hbm>>
    %dma_start3A_65 = arith.constant 0 : i32
    %dma_start3A_66 = tpu.memref_slice %arg4[%add3A_62, %dma_start3A_65] : memref<204800x64xf32, #tpu.memory_space<hbm>> -> memref<256x64xf32, #tpu.memory_space<hbm>>
    tpu.enqueue_dma source(%arg7 : memref<256x64xf32, #tpu.memory_space<vmem>>) target(%dma_start3A_66 : memref<256x64xf32, #tpu.memory_space<hbm>>) target_semaphore(%arg17 : memref<!tpu.dma_semaphore, #tpu.memory_space<semaphore_mem>>)
    %dma_wait3A_67 = arith.constant 22 : i32
    %dma_wait3A_68 = arith.constant 0 : i32
    %dma_wait3A_69 = tpu.memref_slice %arg5[%dma_wait3A_67, %dma_wait3A_68] : memref<25x256xi32, #tpu.memory_space<vmem>> -> memref<1x256xi32, #tpu.memory_space<vmem>>
    %dma_wait3A_70 = tpu.memref_squeeze %dma_wait3A_69 : memref<1x256xi32, #tpu.memory_space<vmem>> -> memref<256xi32, #tpu.memory_space<vmem>>
    %dma_wait3A_71 = arith.constant 0 : i32
    %dma_wait3A_72 = arith.constant 0 : i32
    %dma_wait3A_73 = tpu.memref_slice %arg3[%dma_wait3A_71, %dma_wait3A_72] : memref<1000000x64xf32, #tpu.memory_space<hbm>> -> memref<1000000x64xf32, #tpu.memory_space<hbm>>
    tpu.wait_indirect_dma semaphore(%arg13 : memref<!tpu.dma_semaphore, #tpu.memory_space<semaphore_mem>>) src(%dma_wait3A_73 : memref<1000000x64xf32, #tpu.memory_space<hbm>>) dst(%arg8 : memref<256x64xf32, #tpu.memory_space<vmem>>)
    %add3A_74 = arith.constant 5632 : i32
    %add3A_75 = arith.addi %mul3A_2, %add3A_74 : i32
    %dma_start3A_76 = arith.constant 0 : i32
    %dma_start3A_77 = tpu.memref_slice %arg4[%add3A_75, %dma_start3A_76] : memref<204800x64xf32, #tpu.memory_space<hbm>> -> memref<256x64xf32, #tpu.memory_space<hbm>>
    %dma_start3A_78 = arith.constant 0 : i32
    %dma_start3A_79 = tpu.memref_slice %arg4[%add3A_75, %dma_start3A_78] : memref<204800x64xf32, #tpu.memory_space<hbm>> -> memref<256x64xf32, #tpu.memory_space<hbm>>
    tpu.enqueue_dma source(%arg8 : memref<256x64xf32, #tpu.memory_space<vmem>>) target(%dma_start3A_79 : memref<256x64xf32, #tpu.memory_space<hbm>>) target_semaphore(%arg18 : memref<!tpu.dma_semaphore, #tpu.memory_space<semaphore_mem>>)
    %dma_wait3A_80 = arith.constant 23 : i32
    %dma_wait3A_81 = arith.constant 0 : i32
    %dma_wait3A_82 = tpu.memref_slice %arg5[%dma_wait3A_80, %dma_wait3A_81] : memref<25x256xi32, #tpu.memory_space<vmem>> -> memref<1x256xi32, #tpu.memory_space<vmem>>
    %dma_wait3A_83 = tpu.memref_squeeze %dma_wait3A_82 : memref<1x256xi32, #tpu.memory_space<vmem>> -> memref<256xi32, #tpu.memory_space<vmem>>
    %dma_wait3A_84 = arith.constant 0 : i32
    %dma_wait3A_85 = arith.constant 0 : i32
    %dma_wait3A_86 = tpu.memref_slice %arg3[%dma_wait3A_84, %dma_wait3A_85] : memref<1000000x64xf32, #tpu.memory_space<hbm>> -> memref<1000000x64xf32, #tpu.memory_space<hbm>>
    tpu.wait_indirect_dma semaphore(%arg14 : memref<!tpu.dma_semaphore, #tpu.memory_space<semaphore_mem>>) src(%dma_wait3A_86 : memref<1000000x64xf32, #tpu.memory_space<hbm>>) dst(%arg9 : memref<256x64xf32, #tpu.memory_space<vmem>>)
    %add3A_87 = arith.constant 5888 : i32
    %add3A_88 = arith.addi %mul3A_2, %add3A_87 : i32
    %dma_start3A_89 = arith.constant 0 : i32
    %dma_start3A_90 = tpu.memref_slice %arg4[%add3A_88, %dma_start3A_89] : memref<204800x64xf32, #tpu.memory_space<hbm>> -> memref<256x64xf32, #tpu.memory_space<hbm>>
    %dma_start3A_91 = arith.constant 0 : i32
    %dma_start3A_92 = tpu.memref_slice %arg4[%add3A_88, %dma_start3A_91] : memref<204800x64xf32, #tpu.memory_space<hbm>> -> memref<256x64xf32, #tpu.memory_space<hbm>>
    tpu.enqueue_dma source(%arg9 : memref<256x64xf32, #tpu.memory_space<vmem>>) target(%dma_start3A_92 : memref<256x64xf32, #tpu.memory_space<hbm>>) target_semaphore(%arg19 : memref<!tpu.dma_semaphore, #tpu.memory_space<semaphore_mem>>)
    %dma_wait3A_93 = arith.constant 24 : i32
    %dma_wait3A_94 = arith.constant 0 : i32
    %dma_wait3A_95 = tpu.memref_slice %arg5[%dma_wait3A_93, %dma_wait3A_94] : memref<25x256xi32, #tpu.memory_space<vmem>> -> memref<1x256xi32, #tpu.memory_space<vmem>>
    %dma_wait3A_96 = tpu.memref_squeeze %dma_wait3A_95 : memref<1x256xi32, #tpu.memory_space<vmem>> -> memref<256xi32, #tpu.memory_space<vmem>>
    %dma_wait3A_97 = arith.constant 0 : i32
    %dma_wait3A_98 = arith.constant 0 : i32
    %dma_wait3A_99 = tpu.memref_slice %arg3[%dma_wait3A_97, %dma_wait3A_98] : memref<1000000x64xf32, #tpu.memory_space<hbm>> -> memref<1000000x64xf32, #tpu.memory_space<hbm>>
    tpu.wait_indirect_dma semaphore(%arg15 : memref<!tpu.dma_semaphore, #tpu.memory_space<semaphore_mem>>) src(%dma_wait3A_99 : memref<1000000x64xf32, #tpu.memory_space<hbm>>) dst(%arg10 : memref<256x64xf32, #tpu.memory_space<vmem>>)
    %add3A_100 = arith.constant 6144 : i32
    %add3A_101 = arith.addi %mul3A_2, %add3A_100 : i32
    %dma_start3A_102 = arith.constant 0 : i32
    %dma_start3A_103 = tpu.memref_slice %arg4[%add3A_101, %dma_start3A_102] : memref<204800x64xf32, #tpu.memory_space<hbm>> -> memref<256x64xf32, #tpu.memory_space<hbm>>
    %dma_start3A_104 = arith.constant 0 : i32
    %dma_start3A_105 = tpu.memref_slice %arg4[%add3A_101, %dma_start3A_104] : memref<204800x64xf32, #tpu.memory_space<hbm>> -> memref<256x64xf32, #tpu.memory_space<hbm>>
    tpu.enqueue_dma source(%arg10 : memref<256x64xf32, #tpu.memory_space<vmem>>) target(%dma_start3A_105 : memref<256x64xf32, #tpu.memory_space<hbm>>) target_semaphore(%arg20 : memref<!tpu.dma_semaphore, #tpu.memory_space<semaphore_mem>>)
    %add3A_106 = arith.constant 5120 : i32
    %add3A_107 = arith.addi %mul3A_2, %add3A_106 : i32
    %dma_wait3A_108 = arith.constant 0 : i32
    %dma_wait3A_109 = tpu.memref_slice %arg4[%add3A_107, %dma_wait3A_108] : memref<204800x64xf32, #tpu.memory_space<hbm>> -> memref<256x64xf32, #tpu.memory_space<hbm>>
    %dma_wait3A_110 = arith.constant 0 : i32
    %dma_wait3A_111 = tpu.memref_slice %arg4[%add3A_107, %dma_wait3A_110] : memref<204800x64xf32, #tpu.memory_space<hbm>> -> memref<256x64xf32, #tpu.memory_space<hbm>>
    tpu.wait_dma2 semaphore(%arg16 : memref<!tpu.dma_semaphore, #tpu.memory_space<semaphore_mem>>) src(%arg6 : memref<256x64xf32, #tpu.memory_space<vmem>>) dst(%dma_wait3A_111 : memref<256x64xf32, #tpu.memory_space<hbm>>)
    %add3A_112 = arith.constant 5376 : i32
    %add3A_113 = arith.addi %mul3A_2, %add3A_112 : i32
    %dma_wait3A_114 = arith.constant 0 : i32
    %dma_wait3A_115 = tpu.memref_slice %arg4[%add3A_113, %dma_wait3A_114] : memref<204800x64xf32, #tpu.memory_space<hbm>> -> memref<256x64xf32, #tpu.memory_space<hbm>>
    %dma_wait3A_116 = arith.constant 0 : i32
    %dma_wait3A_117 = tpu.memref_slice %arg4[%add3A_113, %dma_wait3A_116] : memref<204800x64xf32, #tpu.memory_space<hbm>> -> memref<256x64xf32, #tpu.memory_space<hbm>>
    tpu.wait_dma2 semaphore(%arg17 : memref<!tpu.dma_semaphore, #tpu.memory_space<semaphore_mem>>) src(%arg7 : memref<256x64xf32, #tpu.memory_space<vmem>>) dst(%dma_wait3A_117 : memref<256x64xf32, #tpu.memory_space<hbm>>)
    %add3A_118 = arith.constant 5632 : i32
    %add3A_119 = arith.addi %mul3A_2, %add3A_118 : i32
    %dma_wait3A_120 = arith.constant 0 : i32
    %dma_wait3A_121 = tpu.memref_slice %arg4[%add3A_119, %dma_wait3A_120] : memref<204800x64xf32, #tpu.memory_space<hbm>> -> memref<256x64xf32, #tpu.memory_space<hbm>>
    %dma_wait3A_122 = arith.constant 0 : i32
    %dma_wait3A_123 = tpu.memref_slice %arg4[%add3A_119, %dma_wait3A_122] : memref<204800x64xf32, #tpu.memory_space<hbm>> -> memref<256x64xf32, #tpu.memory_space<hbm>>
    tpu.wait_dma2 semaphore(%arg18 : memref<!tpu.dma_semaphore, #tpu.memory_space<semaphore_mem>>) src(%arg8 : memref<256x64xf32, #tpu.memory_space<vmem>>) dst(%dma_wait3A_123 : memref<256x64xf32, #tpu.memory_space<hbm>>)
    %add3A_124 = arith.constant 5888 : i32
    %add3A_125 = arith.addi %mul3A_2, %add3A_124 : i32
    %dma_wait3A_126 = arith.constant 0 : i32
    %dma_wait3A_127 = tpu.memref_slice %arg4[%add3A_125, %dma_wait3A_126] : memref<204800x64xf32, #tpu.memory_space<hbm>> -> memref<256x64xf32, #tpu.memory_space<hbm>>
    %dma_wait3A_128 = arith.constant 0 : i32
    %dma_wait3A_129 = tpu.memref_slice %arg4[%add3A_125, %dma_wait3A_128] : memref<204800x64xf32, #tpu.memory_space<hbm>> -> memref<256x64xf32, #tpu.memory_space<hbm>>
    tpu.wait_dma2 semaphore(%arg19 : memref<!tpu.dma_semaphore, #tpu.memory_space<semaphore_mem>>) src(%arg9 : memref<256x64xf32, #tpu.memory_space<vmem>>) dst(%dma_wait3A_129 : memref<256x64xf32, #tpu.memory_space<hbm>>)
    %add3A_130 = arith.constant 6144 : i32
    %add3A_131 = arith.addi %mul3A_2, %add3A_130 : i32
    %dma_wait3A_132 = arith.constant 0 : i32
    %dma_wait3A_133 = tpu.memref_slice %arg4[%add3A_131, %dma_wait3A_132] : memref<204800x64xf32, #tpu.memory_space<hbm>> -> memref<256x64xf32, #tpu.memory_space<hbm>>
    %dma_wait3A_134 = arith.constant 0 : i32
    %dma_wait3A_135 = tpu.memref_slice %arg4[%add3A_131, %dma_wait3A_134] : memref<204800x64xf32, #tpu.memory_space<hbm>> -> memref<256x64xf32, #tpu.memory_space<hbm>>
    tpu.wait_dma2 semaphore(%arg20 : memref<!tpu.dma_semaphore, #tpu.memory_space<semaphore_mem>>) src(%arg10 : memref<256x64xf32, #tpu.memory_space<vmem>>) dst(%dma_wait3A_135 : memref<256x64xf32, #tpu.memory_space<hbm>>)
    return
  }
}

</mosaic_0001>

<sc_bundles>
// kernel: kernel.3.cloned.1.call-start
scs
__scs_entry_jumppad:
0x0: {  	(pc) =	sbr.rel $0x88, $3  }
0x1: {  	(tag) =	ssettag $0x0;
	lr =	simm.s32 $0x1  }
0x2: {  	[smem:$0x3F9F] =	sst lr;
	_ =	strace $0xD0000000  }
0x3: {  	_ = 	snop  }
0x4: {  	_ = 	snop  }
0x5: {  	_ = 	snop  }
0x6: {  	_ = 	snop  }
0x7: {  	_ = 	snop  }
__scs_overlays_trampoline_lowered:
0x8: {  	[smem:$0x3FAE] =	sst s0  }
0x9: {  	[smem:$0x3FAF] =	sst s1  }
0xa: {  	[smem:$0x3FB0] =	sst s2  }
0xb: {  	[smem:$0x3FB1] =	sst s3  }
0xc: {  	[smem:$0x3FB2] =	sst s4  }
0xd: {  	[smem:$0x3FB3] =	sst s5  }
0xe: {  	[smem:$0x3FB4] =	sst s6  }
0xf: {  	[smem:$0x3FB5] =	sst s7  }
0x10: {  	[smem:$0x3FB6] =	sst s8  }
0x11: {  	[smem:$0x3FB7] =	sst s9;
	s0 =	simm.s32 @!p0 $0x0  }
0x12: {  	s1 =	sld [smem:$0x3F9D];
	s0 =	simm.s32 @p0 $0x1  }
0x13: {  	[smem:$0x3FB8] =	sst s0;
	s0 =	simm.s32 @!p1 $0x0  }
0x14: {  	s2 =	sld [smem:$0x3F9C];
	s0 =	simm.s32 @p1 $0x1  }
0x15: {  	[smem:$0x3FB9] =	sst s0;
	s0 =	simm.s32 @!p2 $0x0  }
0x16: {  	s3 =	sld [smem:$0x3FDB];
	s0 =	simm.s32 @p2 $0x1  }
0x17: {  	s4 =	simm.s32 $0x1BF5;
	[smem:$0x3FBB] =	sst s0  }
0x18: {  	s0 =	sld [smem:$0x3F9E];
	_ =	swait.ge [sflag:s4], $0x0  }
0x19: {  	s7 =	sld [smem:$0x3F9F]  }
0x1a: {  	s8 =	sadd.s32 $0xFFFFE003, lr  }
0x1b: {  	s9 =	sadd.s32 $0xFFFFFEF7, lr;
	s5 =	simm.s32 $0xFFFFFFFF;
	p2 =	slt.u32 s8, $0xFFFFF086  }
0x1c: {  	p1 =	slt.u32 s9, $0xF7A;
	s5 =	simm.s32 @!p2 $0x0  }
0x1d: {  	s5 =	simm.s32 @p1 $0x1;
	p0 =	seq.s32 s7, s2  }
0x1e: {  	s7 =	smul.u32 @!p0 $0xF7A, s2;
	p2 =	seq.s32 @!p0 s5, $0x0  }
0x1f: {  	s9 =	smul.u32 $0xF7A, s1;
	s8 =	simm.s32 @!p0 $0x1BF5;
	p2 =	por !p2, p0  }
0x20: {  	[sflag:s8] =	ssyncset.s32 @!p0 $0xFFFFF086;
	s6 =	sadd.s32 @!p0 s3, s7;
	s7 =	simm.s32 @!p0 $0x108  }
0x21: {  	s3 =	sadd.s32 s3, s9;
	s6 =	sadd.s32 @!p0 $0x88, s6;
	s7 =	simm.s32 @p2 $0x1082  }
0x22: {  	[simem:s7], [sflag:s8] =	dma.local @!p0 [hbm:s6], $0xF7A  }
0x23: {  	s9 =	sor.u32 $0xD0000000, s2;
	s6 =	simm.s32 $0x108;
	_ =	swait.ge @!p0 [sflag:s8], $0x0  }
0x24: {  	s3 =	sadd.s32 $0x88, s3;
	s6 =	simm.s32 @!p1 $0x1082;
	[sflag:s4] =	ssyncset.s32 $0xFFFFF086  }
0x25: {  	[simem:s6], [sflag:s4] =	dma.local [hbm:s3], $0xF7A  }
0x26: {  	[smem:$0x3F9F] =	sst s1;
	(tag) =	ssettag s2;
	_ =	strace s9  }
0x27: {  	s1 =	sld [smem:$0x3FAF]  }
0x28: {  	s2 =	sld [smem:$0x3FB0]  }
0x29: {  	s4 =	sld [smem:$0x3FB2]  }
0x2a: {  	p0 =	seq.s32 s5, $0x0;
	s5 =	sld [smem:$0x3FB3]  }
0x2b: {  	s6 =	sld [smem:$0x3FB4]  }
0x2c: {  	s7 =	sld [smem:$0x3FB5]  }
0x2d: {  	s3 =	simm.s32 $0x108;
	s8 =	sld [smem:$0x3FB6]  }
0x2e: {  	s3 =	simm.s32 @!p0 $0x1082;
	s9 =	sld [smem:$0x3FB7]  }
0x2f: {  	lr =	sadd.s32 s0, s3;
	s0 =	sld [smem:$0x3FAE]  }
0x30: {  	s3 =	sld [smem:$0x3FB1]  }
0x31: {  	[smem:$0x3FBA] =	sst s10  }
0x32: {  	s10 =	sld [smem:$0x3FB8];
	_ =	sdelay $0x3  }
0x33: {  	p0 =	seq.s32 s10, $0x1;
	s10 =	sld [smem:$0x3FBA];
	_ =	sdelay $0x3  }
0x34: {  	[smem:$0x3FBA] =	sst s10  }
0x35: {  	s10 =	sld [smem:$0x3FB9];
	_ =	sdelay $0x3  }
0x36: {  	p1 =	seq.s32 s10, $0x1;
	s10 =	sld [smem:$0x3FBA];
	_ =	sdelay $0x3  }
0x37: {  	[smem:$0x3FBA] =	sst s10  }
0x38: {  	s10 =	sld [smem:$0x3FBB]  }
0x39: {  	_ = 	snop;
	(pc) =	sbr.ind lr, $3  }
0x3a: {  	_ = 	snop  }
0x3b: {  	_ = 	snop  }
0x3c: {  	p2 =	seq.s32 s10, $0x1;
	s10 =	sld [smem:$0x3FBA]  }
0x3d: {  	_ =	shalt  }
0x3e: {  	_ =	shalt  }
0x3f: {  	_ =	shalt  }
0x40: {  	_ =	shalt  }
0x41: {  	_ =	shalt  }
0x42: {  	_ =	shalt  }
0x43: {  	_ =	shalt  }
0x44: {  	_ =	shalt  }
0x45: {  	_ =	shalt  }
0x46: {  	_ =	shalt  }
0x47: {  	_ =	shalt  }
0x48: {  	_ =	shalt  }
0x49: {  	_ =	shalt  }
0x4a: {  	_ =	shalt  }
0x4b: {  	_ =	shalt  }
0x4c: {  	_ =	shalt  }
0x4d: {  	_ =	shalt  }
0x4e: {  	_ =	shalt  }
0x4f: {  	_ =	shalt  }
0x50: {  	_ =	shalt  }
0x51: {  	_ =	shalt  }
0x52: {  	_ =	shalt  }
0x53: {  	_ =	shalt  }
0x54: {  	_ =	shalt  }
0x55: {  	_ =	shalt  }
0x56: {  	_ =	shalt  }
0x57: {  	_ =	shalt  }
0x58: {  	_ =	shalt  }
0x59: {  	_ =	shalt  }
0x5a: {  	_ =	shalt  }
0x5b: {  	_ =	shalt  }
0x5c: {  	_ =	shalt  }
0x5d: {  	_ =	shalt  }
0x5e: {  	_ =	shalt  }
0x5f: {  	_ =	shalt  }
0x60: {  	_ =	shalt  }
0x61: {  	_ =	shalt  }
0x62: {  	_ =	shalt  }
0x63: {  	_ =	shalt  }
0x64: {  	_ =	shalt  }
0x65: {  	_ =	shalt  }
0x66: {  	_ =	shalt  }
0x67: {  	_ =	shalt  }
0x68: {  	_ =	shalt  }
0x69: {  	_ =	shalt  }
0x6a: {  	_ =	shalt  }
0x6b: {  	_ =	shalt  }
0x6c: {  	_ =	shalt  }
0x6d: {  	_ =	shalt  }
0x6e: {  	_ =	shalt  }
0x6f: {  	_ =	shalt  }
0x70: {  	_ =	shalt  }
0x71: {  	_ =	shalt  }
0x72: {  	_ =	shalt  }
0x73: {  	_ =	shalt  }
0x74: {  	_ =	shalt  }
0x75: {  	_ =	shalt  }
0x76: {  	_ =	shalt  }
0x77: {  	_ =	shalt  }
0x78: {  	_ =	shalt  }
0x79: {  	_ =	shalt  }
0x7a: {  	_ =	shalt  }
0x7b: {  	_ =	shalt  }
0x7c: {  	_ =	shalt  }
0x7d: {  	_ =	shalt  }
0x7e: {  	_ =	shalt  }
0x7f: {  	_ =	shalt  }
0x80: {  	_ =	shalt  }
0x81: {  	_ =	shalt  }
0x82: {  	_ =	shalt  }
0x83: {  	_ =	shalt  }
0x84: {  	_ =	shalt  }
0x85: {  	_ =	shalt  }
0x86: {  	_ =	shalt  }
0x87: {  	_ =	shalt  }
.Lfunc_end0:
.L_simem_size_0:
called_computation.1_lowered:
.L_overlay_start_0:
0x88: {  	s2 =	sld [smem:$0x3FD9]  }
0x89: {  	s3 =	sld [smem:$0x3FFE];
	_ =	sdelay $0x1  }
0x8a: {  	s1 =	srdreg.scid  }
0x8b: {  	s0 =	sand.u32 $0x1, s1  }
0x8c: {  	s17 =	sshll.u32 s0, $0xA;
	s2 =	sadd.s32 s3, s2  }
0x8d: {  	s2 =	sadd.s32 s2, s17  }
0x8e: {  	[smem:$0x3FC6] =	sst s2  }
0x8f: {  	_ = 	snop  }
0x90: {  	s2 =	sld [smem:$0x3FD0];
	(tm) =	ssettm $0x1  }
0x91: {  	s18 =	sld [smem:$0x3FFB];
	_ =	sdelay $0x3  }
0x92: {  	_ =	strace s18  }
0x93: {  	s3 =	sld [smem:$0x3FFC];
	_ =	sdelay $0x3  }
0x94: {  	_ =	strace s3  }
0x95: {  	s3 =	sld [smem:$0x3FFD];
	_ =	sdelay $0x3  }
0x96: {  	_ =	strace s3  }
0x97: {  	_ =	strace $0x8FFFFFFF  }
0x98: {  	s19 =	sld [smem:$0x3FDB];
	_ =	sdelay $0x1  }
0x99: {  	s4 =	simm.s32 $_scs_section_size  }
0x9a: {  	s5 =	simm.s32 $_size__tile_overlayer_lowered;
	s6 =	simm.s32 $_tile_overlayer_lowered  }
0x9b: {  	s22 =	simm.s32 $0x1BFF;
	s21 =	sshll.u32 s6, $0x1;
	s3 =	sadd.s32 s4, s19  }
0x9c: {  	s7 =	simm.s32 $0x0;
	s20 =	sshll.u32 s5, $0x1;
	s5 =	sadd.s32 s21, s3  }
0x9d: {  	[timem:s7], [sflag:s22] =	dma.local [hbm:s5], s20  }
0x9e: {  	_ =	swait.ge [sflag:s22], s20  }
0x9f: {  	s4 =	ssub.s32 $0x0, s20;
	[sflag:s22] =	ssyncset.done $0x0  }
0xa0: {  	[sflag:s22] =	ssyncadd.s32 s4;
	_ =	sdelay $0x1  }
0xa1: {  	s23 =	simm.s32 $0x1B8B  }
0xa2: {  	_ =	swait.ge [sflag:s23], $0x1  }
0xa3: {  	[sflag:s23] =	ssyncset.done $0x0  }
0xa4: {  	s25 =	simm.s32 $0x1B8E;
	s24 =	sld [smem:$0x3FFE];
	[sflag:s23] =	ssyncadd.s32 $0xFFFFFFFF  }
0xa5: {  	s26 =	simm.s32 $execute0_lowered;
	[smem:$0x3FD2] =	sst s25  }
0xa6: {  	s5 =	sshll.u32 s26, $0x1;
	_ =	strace $0x80000046;
	[dreg:$0x1] =	wrdreg $0xFFFFFFFF  }
0xa7: {  	s28 =	simm.s32 $_size_execute0_lowered;
	s3 =	sadd.s32 s3, s5;
	[dreg:$0x0] =	wrdreg $0x0  }
0xa8: {  	s5 =	sshll.u32 s28, $0x1;
	[dreg:$0x2] =	wrdreg s3  }
0xa9: {  	[dreg:$0x3] =	wrdreg s5  }
0xaa: {  	[dreg:$0x4] =	wrdreg $0xC0  }
0xab: {  	_ =	task [dreg:s7], $0x5FFFF  }
0xac: {  	[dreg:$0x1] =	wrdreg $0xFFFFFFFF  }
0xad: {  	[dreg:$0x0] =	wrdreg $0x60  }
0xae: {  	[dreg:$0x2] =	wrdreg s24  }
0xaf: {  	[dreg:$0x3] =	wrdreg s2  }
0xb0: {  	[dreg:$0x4] =	wrdreg $0x9  }
0xb1: {  	_ =	task.clear_ibuf [dreg:s7], $0x5FFFF;
	_ =	strace $0x90000046  }
0xb2: {  	s29 =	simm.s32 $0x9;
	_ =	strace $0x80000048  }
0xb3: {  	_ =	swait.ge [sflag:s29], $0x1  }
0xb4: {  	[sflag:s29] =	ssyncadd.s32 $0xFFFFFFFF  }
0xb5: {  	_ =	strace $0x90000048  }
0xb6: {  	_ =	sfence  }
0xb7: {  	s30 =	sld [smem:$0x0];
	_ =	sdelay $0x2  }
0xb8: {  	s31 =	sshll.u32 s1, $0xD;
	s1 =	sshrl.u32 s1, $0x2  }
0xb9: {  	s3 =	sand.u32 $0x4000, s31;
	s1 =	sadd.s32 s1, s30  }
0xba: {  	s0 =	sor.u32 s3, s0;
	s1 =	sshll.u32 s1, $0x11  }
0xbb: {  	s0 =	sor.u32 s1, s0  }
0xbc: {  	s0 =	sadd.s32 $0x8F2B, s0  }
0xbd: {  	[sflag:s0] =	ssyncadd.remote.s32 $0x1  }
0xbe: {  	_ =	sfence.sel $0xFFFF  }
0xbf: {  	[dreg:$0x0] =	wrdreg $0xFFFFFFFF;
	(pc) =	sbr.abs _section_cstart, $3  }
0xc0: {  	[dreg:$0x1] =	wrdreg $0xFFFFFFFF  }
0xc1: {  	_ =	task.clear_ibuf [dreg:s7], $0x2FFFF;
	_ =	strace $0x9FFFFFFF  }
0xc2: {  	(tm) =	ssettm $0x7FFFFFFF  }
0xc3: {  	_ =	shalt  }
tec
execute0_lowered:
.L_overlay_start_1:
0x0: {  	(tag) =	ssettag $0x1  }
0x1: {  	s0 =	srdreg.scid;
	s1 =	rddreg [dreg:$0x0]  }
0x2: {  	s9 =	stileid.u32;
	s4 =	rddreg [dreg:$0x1];
	s17 =	simm.s32 $0x100  }
0x3: {  	s0 =	sand.u32 $0x1, s0;
	s2 =	sshll.u32 s9, $0x1;
	s8 =	smul.u32 $0x3200, s9  }
0x4: {  	s28 =	simm.s32 $0x6;
	s25 =	smul.u32 $0x19000, s9;
	s3 =	sor.u32 s0, s2  }
0x5: {  	s29 =	simm.s32 $0x2;
	s30 =	simm.s32 $0x7;
	s5 =	smul.u32 $0x1900, s3  }
0x6: {  	s31 =	simm.s32 $0x3;
	s2 =	simm.s32 $0x0;
	s6 =	smul.u32 $0x64000, s3  }
0x7: {  	s18 =	ssub.s32 $0x2, s0;
	s19 =	smul.u32 $0x1900, s0;
	s5 =	sshrl.u32 s5, $0x3  }
0x8: {  	s0 =	smul.u32 $0xC800, s0;
	s6 =	sshrl.u32 s6, $0x3;
	s5 =	sadd.s32 s5, s1  }
0x9: {  	[smem:$0x7FF] =	sst s2;
	s6 =	sadd.s32 s4, s6;
	s5 =	sadd.s32 $0xA00, s5  }
0xa: {  	_ =	strace $0x80000047;
	s20 =	sadd.s32 $0xA000, s6;
	[dreg:$0x3] =	wrdreg s5  }
0xb: {  	s3 =	sadd.s32 $0xF42E00, s1;
	s21 =	sadd.s32 $0xA800, s6;
	[dreg:$0x4] =	wrdreg s20  }
0xc: {  	s7 =	sshrl.u32 s18, $0x1;
	s22 =	sadd.s32 $0xB000, s6;
	[dreg:$0x5] =	wrdreg s21  }
0xd: {  	s24 =	sadd.s32 s19, s8;
	s23 =	sadd.s32 $0xB800, s6;
	[dreg:$0x6] =	wrdreg s22  }
0xe: {  	s1 =	ssub.s32 s18, s7;
	s6 =	sadd.s32 $0xC000, s6;
	[dreg:$0x7] =	wrdreg s23  }
0xf: {  	s19 =	simm.s32 $0x5900;
	s1 =	smax.u32 s1, $0x1;
	[dreg:$0x8] =	wrdreg s6  }
0x10: {  	s18 =	simm.s32 $0x1900;
	s5 =	sshll.u32 s24, $0x3;
	[dreg:$0x9] =	wrdreg s1  }
0x11: {  	s21 =	simm.s32 $0x9900;
	s23 =	simm.s32 $0xD900;
	s1 =	simm.s32 $0x8  }
0x12: {  	s20 =	simm.s32 $0x9;
	s22 =	simm.s32 $0x5;
	s24 =	simm.s32 $0xA  }
0x13: {  	s26 =	sadd.s32 s4, s5;
	s4 =	sadd.s32 s25, s4;
	s25 =	simm.s32 $0x11900  }
0x14: {  	s5 =	sadd.s32 $0x2000, s26;
	s12 =	sadd.s32 $0x1800, s26;
	s13 =	sadd.s32 $0x1000, s26  }
0x15: {  	s14 =	sadd.s32 $0x800, s26;
	s15 =	sadd.s32 s0, s4;
	s26 =	simm.s32 $0x1  }
0x16: {  	s0 =	simm.s32 $0x4;
	s4 =	simm.s32 $0x0;
	[dreg:$0xa] =	wrdreg s5  }
.LBB2_1:
0x17: {  	s5 =	rddreg [dreg:$0x3];
	s16 =	simm.s32 $0xB  }
0x18: {  	[tilespmem:s2], [sflag:$0xB] =	stream.linear.gather [hbm4b:s5+s2], $0x1900, $0x38;
	[tilespmem:$0x15900] =	vst v63  }
0x19: {  	_ =	swait.ge [sflag:s16], $0x1900  }
0x1a: {  	[sflag:s16] =	ssyncset.done $0x0  }
0x1b: {  	[sflag:s16] =	ssyncadd.s32 $0xFFFFE700  }
0x1c: {  	[tilespmem:s18], [sflag:$0x1] =	stream.indirect.gather [hbm4b:s3+s17], $0x40, s2, s17, $0xb8;
	[tilespmem:$0x15900] =	vst v63  }
0x1d: {  	_ = 	snop  }
0x1e: {  	[tilespmem:s19], [sflag:$0x2] =	stream.indirect.gather [hbm4b:s3+s17], $0x40, s17, s17, $0xb8;
	[tilespmem:$0x15900] =	vst v63  }
0x1f: {  	s6 =	simm.s32 $0x200  }
0x20: {  	[tilespmem:s21], [sflag:$0x3] =	stream.indirect.gather [hbm4b:s3+s17], $0x40, s6, s17, $0xb8;
	[tilespmem:$0x15900] =	vst v63  }
0x21: {  	s7 =	simm.s32 $0x300  }
0x22: {  	[tilespmem:s23], [sflag:$0x4] =	stream.indirect.gather [hbm4b:s3+s17], $0x40, s7, s17, $0xb8;
	[tilespmem:$0x15900] =	vst v63  }
0x23: {  	s8 =	simm.s32 $0x400  }
0x24: {  	[tilespmem:s25], [sflag:$0x5] =	stream.indirect.gather [hbm4b:s3+s17], $0x40, s8, s17, $0xb8;
	[tilespmem:$0x15900] =	vst v63  }
0x25: {  	_ =	swait.ge [sflag:s26], $0x4000  }
0x26: {  	[sflag:s26] =	ssyncset.done $0x0  }
0x27: {  	[sflag:s26] =	ssyncadd.s32 $0xFFFFC000  }
0x28: {  	[hbm4b:s15+s2] =	stream.linear.scatter [tilespmem:s18], [sflag:$0x6], $0x4000, $0x38;
	[tilespmem:$0x15900] =	vst v63  }
0x29: {  	_ =	swait.ge [sflag:s28], $0x4000  }
0x2a: {  	[sflag:s28] =	ssyncset.done $0x0  }
0x2b: {  	s9 =	simm.s32 $0x500;
	[sflag:s28] =	ssyncadd.s32 $0xFFFFC000  }
0x2c: {  	[tilespmem:s18], [sflag:$0x1] =	stream.indirect.gather [hbm4b:s3+s17], $0x40, s9, s17, $0xb8;
	[tilespmem:$0x15900] =	vst v63  }
0x2d: {  	_ =	swait.ge [sflag:s29], $0x4000  }
0x2e: {  	[sflag:s29] =	ssyncset.done $0x0  }
0x2f: {  	[sflag:s29] =	ssyncadd.s32 $0xFFFFC000  }
0x30: {  	[hbm4b:s14+s2] =	stream.linear.scatter [tilespmem:s19], [sflag:$0x7], $0x4000, $0x38;
	[tilespmem:$0x15900] =	vst v63  }
0x31: {  	_ =	swait.ge [sflag:s30], $0x4000  }
0x32: {  	[sflag:s30] =	ssyncset.done $0x0  }
0x33: {  	s10 =	simm.s32 $0x600;
	[sflag:s30] =	ssyncadd.s32 $0xFFFFC000  }
0x34: {  	[tilespmem:s19], [sflag:$0x2] =	stream.indirect.gather [hbm4b:s3+s17], $0x40, s10, s17, $0xb8;
	[tilespmem:$0x15900] =	vst v63  }
0x35: {  	_ =	swait.ge [sflag:s31], $0x4000  }
0x36: {  	[sflag:s31] =	ssyncset.done $0x0  }
0x37: {  	[sflag:s31] =	ssyncadd.s32 $0xFFFFC000  }
0x38: {  	[hbm4b:s13+s2] =	stream.linear.scatter [tilespmem:s21], [sflag:$0x8], $0x4000, $0x38;
	[tilespmem:$0x15900] =	vst v63  }
0x39: {  	_ =	swait.ge [sflag:s1], $0x4000  }
0x3a: {  	[sflag:s1] =	ssyncset.done $0x0  }
0x3b: {  	s11 =	simm.s32 $0x700;
	[sflag:s1] =	ssyncadd.s32 $0xFFFFC000  }
0x3c: {  	[tilespmem:s21], [sflag:$0x3] =	stream.indirect.gather [hbm4b:s3+s17], $0x40, s11, s17, $0xb8;
	[tilespmem:$0x15900] =	vst v63  }
0x3d: {  	_ =	swait.ge [sflag:s0], $0x4000  }
0x3e: {  	[sflag:s0] =	ssyncset.done $0x0  }
0x3f: {  	[sflag:s0] =	ssyncadd.s32 $0xFFFFC000  }
0x40: {  	[hbm4b:s12+s2] =	stream.linear.scatter [tilespmem:s23], [sflag:$0x9], $0x4000, $0x38;
	[tilespmem:$0x15900] =	vst v63  }
0x41: {  	_ =	swait.ge [sflag:s20], $0x4000  }
0x42: {  	[sflag:s20] =	ssyncset.done $0x0  }
0x43: {  	s16 =	simm.s32 $0x800;
	[sflag:s20] =	ssyncadd.s32 $0xFFFFC000  }
0x44: {  	[tilespmem:s23], [sflag:$0x4] =	stream.indirect.gather [hbm4b:s3+s17], $0x40, s16, s17, $0xb8;
	[tilespmem:$0x15900] =	vst v63  }
0x45: {  	_ =	swait.ge [sflag:s22], $0x4000  }
0x46: {  	[sflag:s22] =	ssyncset.done $0x0  }
0x47: {  	s5 =	simm.s32 $0x1400;
	s10 =	rddreg [dreg:$0xa];
	[sflag:s22] =	ssyncadd.s32 $0xFFFFC000  }
0x48: {  	[hbm4b:s10+s2] =	stream.linear.scatter [tilespmem:s25], [sflag:$0xA], $0x4000, $0x38;
	[tilespmem:$0x15900] =	vst v63  }
0x49: {  	s6 =	sadd.s32 $0x2800, s14;
	s7 =	sadd.s32 $0x2800, s15;
	_ =	swait.ge [sflag:s24], $0x4000  }
0x4a: {  	s8 =	sadd.s32 $0x2800, s12;
	s9 =	sadd.s32 $0x2800, s13;
	[sflag:s24] =	ssyncset.done $0x0  }
0x4b: {  	s16 =	simm.s32 $0x900;
	s10 =	sadd.s32 $0x2800, s10;
	[sflag:s24] =	ssyncadd.s32 $0xFFFFC000  }
.LBB2_2:
0x4c: {  	[tilespmem:s25], [sflag:$0x5] =	stream.indirect.gather [hbm4b:s3+s17], $0x40, s16, s17, $0xb8;
	[tilespmem:$0x15900] =	vst v63  }
0x4d: {  	s16 =	smov.u32 s5  }
0x4e: {  	p0 =	sne.s32 s5, $0x3C00;
	s5 =	sadd.s32 $0x1400, s5;
	_ =	swait.ge [sflag:s26], $0x4000  }
0x4f: {  	[sflag:s26] =	ssyncset.done $0x0  }
0x50: {  	[sflag:s26] =	ssyncadd.s32 $0xFFFFC000  }
0x51: {  	[hbm4b:s7+s2] =	stream.linear.scatter [tilespmem:s18], [sflag:$0x6], $0x4000, $0x38;
	[tilespmem:$0x15900] =	vst v63  }
0x52: {  	_ =	swait.ge [sflag:s28], $0x4000  }
0x53: {  	s16 =	sshra.s32 s16, $0x2;
	[sflag:s28] =	ssyncset.done $0x0  }
0x54: {  	s11 =	sadd.s32 $0x500, s16;
	[sflag:s28] =	ssyncadd.s32 $0xFFFFC000  }
0x55: {  	[tilespmem:s18], [sflag:$0x1] =	stream.indirect.gather [hbm4b:s3+s17], $0x40, s11, s17, $0xb8;
	[tilespmem:$0x15900] =	vst v63  }
0x56: {  	_ =	swait.ge [sflag:s29], $0x4000  }
0x57: {  	[sflag:s29] =	ssyncset.done $0x0  }
0x58: {  	[sflag:s29] =	ssyncadd.s32 $0xFFFFC000  }
0x59: {  	[hbm4b:s6+s2] =	stream.linear.scatter [tilespmem:s19], [sflag:$0x7], $0x4000, $0x38;
	[tilespmem:$0x15900] =	vst v63  }
0x5a: {  	_ =	swait.ge [sflag:s30], $0x4000  }
0x5b: {  	[sflag:s30] =	ssyncset.done $0x0  }
0x5c: {  	s11 =	sadd.s32 $0x600, s16;
	[sflag:s30] =	ssyncadd.s32 $0xFFFFC000  }
0x5d: {  	[tilespmem:s19], [sflag:$0x2] =	stream.indirect.gather [hbm4b:s3+s17], $0x40, s11, s17, $0xb8;
	[tilespmem:$0x15900] =	vst v63  }
0x5e: {  	_ =	swait.ge [sflag:s31], $0x4000  }
0x5f: {  	[sflag:s31] =	ssyncset.done $0x0  }
0x60: {  	[sflag:s31] =	ssyncadd.s32 $0xFFFFC000  }
0x61: {  	[hbm4b:s9+s2] =	stream.linear.scatter [tilespmem:s21], [sflag:$0x8], $0x4000, $0x38;
	[tilespmem:$0x15900] =	vst v63  }
0x62: {  	_ =	swait.ge [sflag:s1], $0x4000  }
0x63: {  	[sflag:s1] =	ssyncset.done $0x0  }
0x64: {  	s11 =	sadd.s32 $0x700, s16;
	[sflag:s1] =	ssyncadd.s32 $0xFFFFC000  }
0x65: {  	[tilespmem:s21], [sflag:$0x3] =	stream.indirect.gather [hbm4b:s3+s17], $0x40, s11, s17, $0xb8;
	[tilespmem:$0x15900] =	vst v63  }
0x66: {  	_ =	swait.ge [sflag:s0], $0x4000  }
0x67: {  	[sflag:s0] =	ssyncset.done $0x0  }
0x68: {  	[sflag:s0] =	ssyncadd.s32 $0xFFFFC000  }
0x69: {  	[hbm4b:s8+s2] =	stream.linear.scatter [tilespmem:s23], [sflag:$0x9], $0x4000, $0x38;
	[tilespmem:$0x15900] =	vst v63  }
0x6a: {  	_ =	swait.ge [sflag:s20], $0x4000  }
0x6b: {  	[sflag:s20] =	ssyncset.done $0x0  }
0x6c: {  	s11 =	sadd.s32 $0x800, s16;
	[sflag:s20] =	ssyncadd.s32 $0xFFFFC000  }
0x6d: {  	[tilespmem:s23], [sflag:$0x4] =	stream.indirect.gather [hbm4b:s3+s17], $0x40, s11, s17, $0xb8;
	[tilespmem:$0x15900] =	vst v63  }
0x6e: {  	_ =	swait.ge [sflag:s22], $0x4000  }
0x6f: {  	[sflag:s22] =	ssyncset.done $0x0  }
.Ltmp0:
0x70: {  	[sflag:s22] =	ssyncadd.s32 $0xFFFFC000;
	(pc) =	sbr.rel @p0 .LBB2_2-.Ltmp0, $4  }
0x71: {  	[hbm4b:s10+s2] =	stream.linear.scatter [tilespmem:s25], [sflag:$0xA], $0x4000, $0x38;
	[tilespmem:$0x15900] =	vst v63  }
0x72: {  	s7 =	sadd.s32 $0x2800, s7;
	s6 =	sadd.s32 $0x2800, s6;
	_ =	swait.ge [sflag:s24], $0x4000  }
0x73: {  	s9 =	sadd.s32 $0x2800, s9;
	s8 =	sadd.s32 $0x2800, s8;
	[sflag:s24] =	ssyncset.done $0x0  }
0x74: {  	s16 =	sadd.s32 $0x900, s16;
	s10 =	sadd.s32 $0x2800, s10;
	[sflag:s24] =	ssyncadd.s32 $0xFFFFC000  }
0x75: {  	[tilespmem:s25], [sflag:$0x5] =	stream.indirect.gather [hbm4b:s3+s17], $0x40, s16, s17, $0xb8;
	[tilespmem:$0x15900] =	vst v63  }
0x76: {  	_ =	swait.ge [sflag:s26], $0x4000  }
0x77: {  	[sflag:s26] =	ssyncset.done $0x0  }
0x78: {  	s5 =	rddreg [dreg:$0x4];
	[sflag:s26] =	ssyncadd.s32 $0xFFFFC000  }
0x79: {  	[hbm4b:s5+s2] =	stream.linear.scatter [tilespmem:s18], [sflag:$0x6], $0x4000, $0x38;
	[tilespmem:$0x15900] =	vst v63  }
0x7a: {  	_ =	swait.ge [sflag:s29], $0x4000  }
0x7b: {  	[sflag:s29] =	ssyncset.done $0x0  }
0x7c: {  	s8 =	rddreg [dreg:$0x5];
	[sflag:s29] =	ssyncadd.s32 $0xFFFFC000  }
0x7d: {  	[hbm4b:s8+s2] =	stream.linear.scatter [tilespmem:s19], [sflag:$0x7], $0x4000, $0x38;
	[tilespmem:$0x15900] =	vst v63  }
0x7e: {  	_ =	swait.ge [sflag:s31], $0x4000  }
0x7f: {  	[sflag:s31] =	ssyncset.done $0x0  }
0x80: {  	s9 =	rddreg [dreg:$0x6];
	[sflag:s31] =	ssyncadd.s32 $0xFFFFC000  }
0x81: {  	[hbm4b:s9+s2] =	stream.linear.scatter [tilespmem:s21], [sflag:$0x8], $0x4000, $0x38;
	[tilespmem:$0x15900] =	vst v63  }
0x82: {  	_ =	swait.ge [sflag:s0], $0x4000  }
0x83: {  	[sflag:s0] =	ssyncset.done $0x0  }
0x84: {  	s10 =	rddreg [dreg:$0x7];
	[sflag:s0] =	ssyncadd.s32 $0xFFFFC000  }
0x85: {  	[hbm4b:s10+s2] =	stream.linear.scatter [tilespmem:s23], [sflag:$0x9], $0x4000, $0x38;
	[tilespmem:$0x15900] =	vst v63  }
0x86: {  	_ =	swait.ge [sflag:s22], $0x4000  }
0x87: {  	[sflag:s22] =	ssyncset.done $0x0  }
0x88: {  	s11 =	rddreg [dreg:$0x8];
	[sflag:s22] =	ssyncadd.s32 $0xFFFFC000  }
0x89: {  	[hbm4b:s11+s2] =	stream.linear.scatter [tilespmem:s25], [sflag:$0xA], $0x4000, $0x38;
	[tilespmem:$0x15900] =	vst v63  }
0x8a: {  	_ =	swait.ge [sflag:s28], $0x4000  }
0x8b: {  	[sflag:s28] =	ssyncset.done $0x0  }
0x8c: {  	[sflag:s28] =	ssyncadd.s32 $0xFFFFC000  }
0x8d: {  	_ =	swait.ge [sflag:s30], $0x4000  }
0x8e: {  	[sflag:s30] =	ssyncset.done $0x0  }
0x8f: {  	[sflag:s30] =	ssyncadd.s32 $0xFFFFC000  }
0x90: {  	_ =	swait.ge [sflag:s1], $0x4000  }
0x91: {  	[sflag:s1] =	ssyncset.done $0x0  }
0x92: {  	[sflag:s1] =	ssyncadd.s32 $0xFFFFC000  }
0x93: {  	_ =	swait.ge [sflag:s20], $0x4000  }
0x94: {  	[sflag:s20] =	ssyncset.done $0x0  }
0x95: {  	[sflag:s20] =	ssyncadd.s32 $0xFFFFC000  }
0x96: {  	_ =	swait.ge [sflag:s24], $0x4000  }
0x97: {  	s4 =	sadd.s32 $0x1, s4;
	s16 =	rddreg [dreg:$0x9]  }
0x98: {  	p0 =	sne.s32 s4, s16  }
.Ltmp1:
0x99: {  	_ = 	snop;
	(pc) =	sbr.rel @p0 .LBB2_1-.Ltmp1, $3  }
0x9a: {  	_ =	sdelay $0x1  }
0x9b: {  	[sflag:s24] =	ssyncset.done $0x0  }
0x9c: {  	[sflag:s24] =	ssyncadd.s32 $0xFFFFC000  }
0x9d: {  	_ =	sfence.sel $0x180000  }
0x9e: {  	[bflag:$0x0] =	sbarrier.arrive $0xFFFF  }
0x9f: {  	_ =	strace $0x90000047  }
0xa0: {  	s0 =	stileid.u32;
	[bflag:$0x2] =	sbarrier.arrive $0xFFFF  }
0xa1: {  	p0 =	sne.s32 s0, $0x0;
	s0 =	rddreg [dreg:$0x2]  }
0xa2: {  	s0 =	sadd.s32 @!p0 $0x100000, s0  }
0xa3: {  	[sflag:s0] =	ssyncadd.tile.s32 @!p0 $0x1;
	_ =	shalt  }
.Lfunc_end2:
_tile_overlayer_lowered:
.L_overlay_start_2:
0xa4: {  	(tag) =	ssettag $0x2  }
0xa5: {  	s0 =	rddreg [dreg:$0x0];
	s2 =	stileid.u32  }
0xa6: {  	s1 =	rddreg [dreg:$0x1];
	p0 =	sne.s32 s2, $0x0  }
0xa7: {  	s3 =	rddreg [dreg:$0x2];
	[bflag:$0x3] =	sbarrier.arrive $0xFFFF;
	s2 =	simm.s32 @!p0 $0x1C0B  }
0xa8: {  	[timem:s3], [sflag:s2] =	dma.local @!p0 [hbm:s0], s1  }
0xa9: {  	s0 =	simm.s32 @!p0 $0xB  }
0xaa: {  	_ =	swait.ge @!p0 [sflag:s0], s1  }
0xab: {  	s1 =	ssub.s32 @!p0 $0x0, s1;
	[sflag:s0] =	ssyncset.done @!p0 $0x0  }
0xac: {  	[sflag:s0] =	ssyncadd.s32 @!p0 s1  }
0xad: {  	[bflag:$0x3] =	sbarrier.arrive $0xFFFF  }
0xae: {  	_ =	shalt  }

// kernel: sparse-core-data-format-call.cloned.1.call-start
scs
called_computation_lowered:
.L_overlay_start_0:
0x0: {  	s2 =	sld [smem:$0x3FD9]  }
0x1: {  	s3 =	sld [smem:$0x3FFE];
	_ =	sdelay $0x1  }
0x2: {  	s1 =	srdreg.scid  }
0x3: {  	s0 =	sand.u32 $0x1, s1  }
0x4: {  	s18 =	sshll.u32 s0, $0xA;
	s2 =	sadd.s32 s3, s2  }
0x5: {  	s2 =	sadd.s32 s2, s18  }
0x6: {  	[smem:$0x3FC6] =	sst s2  }
0x7: {  	_ = 	snop  }
0x8: {  	s2 =	sld [smem:$0x3FD0];
	(tm) =	ssettm $0x1  }
0x9: {  	s19 =	sld [smem:$0x3FFB];
	_ =	sdelay $0x3  }
0xa: {  	_ =	strace s19  }
0xb: {  	s3 =	sld [smem:$0x3FFC];
	_ =	sdelay $0x3  }
0xc: {  	_ =	strace s3  }
0xd: {  	s3 =	sld [smem:$0x3FFD];
	_ =	sdelay $0x3  }
0xe: {  	_ =	strace s3  }
0xf: {  	_ =	strace $0x8FFFFFFF  }
0x10: {  	s20 =	sld [smem:$0x3FDB];
	_ =	sdelay $0x1  }
0x11: {  	s4 =	simm.s32 $_scs_section_size  }
0x12: {  	s5 =	simm.s32 $_size__tile_overlayer_lowered;
	s6 =	simm.s32 $_tile_overlayer_lowered  }
0x13: {  	s23 =	simm.s32 $0x1BFF;
	s22 =	sshll.u32 s6, $0x1;
	s3 =	sadd.s32 s4, s20  }
0x14: {  	s7 =	simm.s32 $0x0;
	s21 =	sshll.u32 s5, $0x1;
	s5 =	sadd.s32 s22, s3  }
0x15: {  	[timem:s7], [sflag:s23] =	dma.local [hbm:s5], s21  }
0x16: {  	_ =	swait.ge [sflag:s23], s21  }
0x17: {  	s4 =	ssub.s32 $0x0, s21;
	[sflag:s23] =	ssyncset.done $0x0  }
0x18: {  	[sflag:s23] =	ssyncadd.s32 s4;
	_ =	sdelay $0x1  }
0x19: {  	s24 =	simm.s32 $0x1B8B  }
0x1a: {  	_ =	swait.ge [sflag:s24], $0x1  }
0x1b: {  	[sflag:s24] =	ssyncset.done $0x0  }
0x1c: {  	s26 =	simm.s32 $0x1B8E;
	s25 =	sld [smem:$0x3FFE];
	[sflag:s24] =	ssyncadd.s32 $0xFFFFFFFF  }
0x1d: {  	s27 =	simm.s32 $execute0_lowered;
	[smem:$0x3FD2] =	sst s26  }
0x1e: {  	s5 =	sshll.u32 s27, $0x1;
	_ =	strace $0x80000049;
	[dreg:$0x1] =	wrdreg $0xFFFFFFFF  }
0x1f: {  	s28 =	simm.s32 $_size_execute0_lowered;
	s3 =	sadd.s32 s3, s5;
	[dreg:$0x0] =	wrdreg $0x0  }
0x20: {  	s5 =	sshll.u32 s28, $0x1;
	[dreg:$0x2] =	wrdreg s3  }
0x21: {  	[dreg:$0x3] =	wrdreg s5  }
0x22: {  	[dreg:$0x4] =	wrdreg $0xC0  }
0x23: {  	_ =	task [dreg:s7], $0x5FFFF  }
0x24: {  	[dreg:$0x1] =	wrdreg $0xFFFFFFFF  }
0x25: {  	[dreg:$0x0] =	wrdreg $0x60  }
0x26: {  	[dreg:$0x2] =	wrdreg s25  }
0x27: {  	[dreg:$0x3] =	wrdreg s2  }
0x28: {  	[dreg:$0x4] =	wrdreg $0x9  }
0x29: {  	_ =	task.clear_ibuf [dreg:s7], $0x5FFFF;
	_ =	strace $0x90000049  }
0x2a: {  	s29 =	simm.s32 $0x9;
	_ =	strace $0x8000004B  }
0x2b: {  	_ =	swait.ge [sflag:s29], $0x1  }
0x2c: {  	[sflag:s29] =	ssyncadd.s32 $0xFFFFFFFF  }
0x2d: {  	_ =	strace $0x9000004B  }
0x2e: {  	_ =	sfence  }
0x2f: {  	s30 =	sld [smem:$0x0];
	_ =	sdelay $0x2  }
0x30: {  	s31 =	sshll.u32 s1, $0xD;
	s1 =	sshrl.u32 s1, $0x2  }
0x31: {  	s3 =	sand.u32 $0x4000, s31;
	s1 =	sadd.s32 s1, s30  }
0x32: {  	s0 =	sor.u32 s3, s0;
	s1 =	sshll.u32 s1, $0x11  }
0x33: {  	s0 =	sor.u32 s1, s0  }
0x34: {  	s0 =	sadd.s32 $0x8F2B, s0  }
0x35: {  	[sflag:s0] =	ssyncadd.remote.s32 $0x1  }
0x36: {  	_ =	sfence.sel $0xFFFF  }
0x37: {  	[dreg:$0x0] =	wrdreg $0xFFFFFFFF;
	(pc) =	sbr.abs _section_cstart, $3  }
0x38: {  	[dreg:$0x1] =	wrdreg $0xFFFFFFFF  }
0x39: {  	_ =	task.clear_ibuf [dreg:s7], $0x2FFFF;
	_ =	strace $0x9FFFFFFF  }
0x3a: {  	(tm) =	ssettm $0x7FFFFFFF  }
0x3b: {  	_ =	shalt  }
tec
execute0_lowered:
.L_overlay_start_1:
0x0: {  	(tag) =	ssettag $0x1  }
0x1: {  	s0 =	stileid.u32;
	s6 =	rddreg [dreg:$0x0]  }
0x2: {  	s2 =	rddreg [dreg:$0x1];
	s5 =	srdreg.scid  }
0x3: {  	s31 =	simm.s32 $0x2;
	s13 =	simm.s32 $0x0;
	s1 =	sshll.u32 s0, $0x7  }
0x4: {  	s14 =	simm.s32 $0x0;
	s12 =	simm.s32 $0x0;
	s3 =	sand.u32 $0x380, s1  }
0x5: {  	s5 =	sshll.u32 s5, $0x4;
	s6 =	sadd.s32 $0xA00, s6;
	s4 =	ssub.s32 $0x400, s3  }
0x6: {  	s1 =	rddreg [dreg:$0x2];
	_ =	strace $0x8000004A;
	s7 =	sand.u32 $0x380, s4  }
0x7: {  	s5 =	sand.u32 $0x10, s5;
	p0 =	sne.s32 s7, $0x0;
	s7 =	simm.s32 $0x1  }
.Ltmp0:
0x8: {  	s8 =	sshrl.u32 s4, $0xA;
	s7 =	simm.s32 @!p0 $0x0;
	(pc) =	sbr.rel .LBB1_1-.Ltmp0, $4  }
0x9: {  	s9 =	sor.u32 s0, s5;
	s4 =	simm.s32 $0x1;
	s30 =	sadd.s32 s7, s8  }
0xa: {  	s11 =	smov.u32 s3;
	[sflag:s4] =	ssyncpa.u1 $0x0;
	s5 =	smul.u32 $0x32, s30  }
0xb: {  	[sflag:s31] =	ssyncpa.u1 $0x0;
	p0 =	por $0x0, $0x0;
	s7 =	sshrl.u32 s9, $0x3  }
0xc: {  	s9 =	simm.s32 $0x2000;
	s10 =	smov.u32 s7;
	s8 =	sor.u32 $0x1, s5  }
.LBB1_4:
0xd: {  	s17 =	sand.u32 $0x1F80, s14;
	s13 =	sshll.u32 s13, $0xD  }
0xe: {  	[tilespmem:s16+$0x810 ss:$0x81] =	vst.msk $0xffff, v2;
	s18 =	sshrl.u32 s14, $0x3;
	s31 =	sand.u32 $0x7, s14;
	s17 =	sadd.s32 s2, s17  }
0xf: {  	[tilespmem:s16+$0x1020 ss:$0x81] =	vst.msk $0xffff, v0;
	s18 =	sand.u32 $0xF, s18;
	s14 =	sshll.u32 s31, $0x12;
	s13 =	sadd.s32 s13, s17  }
0x10: {  	[tilespmem:s16+$0x0 ss:$0x81] =	vst.msk $0xffff, v1;
	s14 =	sor.u32 $0x400, s14;
	s13 =	sadd.s32 s18, s13  }
0x11: {  	[hbm4b:s13+s14] =	stream.strided.scatter [tilespmem:s15], [sflag:$0x2], $0x2000, s9, s14, $0x20;
	[tilespmem:$0x8080] =	vst v63  }
.LBB1_5:
0x12: {  	s15 =	sadd.s32 $0x4, s10  }
0x13: {  	s13 =	sadd.s32 $0x400, s11;
	s17 =	smov.u32 s11;
	p2 =	sgt.s32 s15, $0xC7  }
0x14: {  	s17 =	smov.u32 @p2 s13  }
0x15: {  	s15 =	smov.u32 @p2 s7;
	p2 =	sgt.s32 s17, $0x3FF  }
0x16: {  	s17 =	smov.u32 @p2 s3;
	p2 =	sne.s32 s12, s8  }
.Ltmp1:
0x17: {  	p1 =	slt.u32 s12, $0x2;
	(pc) =	sbr.rel @!p2 .LBB1_6-.Ltmp1, $4  }
0x18: {  	s16 =	simm.s32 @!p1 $0x2  }
0x19: {  	s14 =	smov.u32 s11;
	p0 =	por !p0, !p0;
	_ =	swait.ge @!p1 [sflag:s16], $0x2000  }
0x1a: {  	s13 =	smov.u32 s10;
	[sflag:s16] =	ssyncset.done @!p1 $0x0;
	s10 =	smov.u32 s15  }
0x1b: {  	s12 =	sadd.s32 $0x1, s12;
	[sflag:s16] =	ssyncadd.s32 @!p1 $0xFFFFE000;
	s11 =	smov.u32 s17  }
.LBB1_1:
0x1c: {  	p1 =	sge.u32 s12, s5  }
0x1d: {  	s15 =	sand.u32 @!p1 $0x1FFFFFF, s10  }
0x1e: {  	s16 =	smulhi.u32 @!p1 $0x147AE15, s15;
	_ =	sdelay $0x1  }
0x1f: {  	s16 =	smul.u32 @!p1 $0xC8, s16  }
0x20: {  	s17 =	sxor.u32 @!p1 $0xFFFFFFFF, s12;
	s18 =	smul.u32 @!p1 $0xC80, s11  }
0x21: {  	s31 =	sadd.s32 $0xFFFFFFFF, s12;
	s17 =	sshll.u32 @!p1 s17, $0xD;
	s15 =	ssub.s32 @!p1 s15, s16  }
0x22: {  	s16 =	sand.u32 @!p1 $0x2000, s17;
	s17 =	sadd.s32 @!p1 s6, s18;
	s15 =	sshll.u32 @!p1 s15, $0x4  }
0x23: {  	s18 =	simm.s32 @!p1 $0x6400;
	s15 =	sadd.s32 @!p1 s15, s17;
	s17 =	simm.s32 @!p1 $0x40  }
0x24: {  	[tilespmem:s16], [sflag:$0x1] =	stream.strided.gather @!p1 [hbm4b:s15+s17], $0x2000, s18, s17, $0x38;
	[tilespmem:$0x8080] =	vst v63  }
0x25: {  	p1 =	sge.u32 s31, s5  }
.Ltmp2:
0x26: {  	_ = 	snop;
	(pc) =	sbr.rel @p1 .LBB1_5-.Ltmp2, $1  }
0x27: {  	_ =	sdelay $0x3  }
0x28: {  	s15 =	simm.s32 $0x1  }
0x29: {  	_ =	swait.ge [sflag:s4], $0x2000;
	s15 =	simm.s32 @!p0 $0x0  }
0x2a: {  	[sflag:s4] =	ssyncset.done $0x0;
	s16 =	sshll.u32 s15, $0xD  }
0x2b: {  	[sflag:s4] =	ssyncadd.s32 $0xFFFFE000;
	s19 =	sor.u32 $0x20, s16  }
0x2c: {  	s15 =	smul.u32 $0x8100, s15;
	v3 =	vld [tilespmem:s19+$0x10]  }
0x2d: {  	s30 =	sand.u32 $0x1, s12;
	v2 =	vld [tilespmem:s19+$0xFFFFFFF0]  }
0x2e: {  	s16 =	smul.u32 $0x8100, s30;
	s15 =	sshrl.u32 s15, $0x2;
	v0 =	vld [tilespmem:s19+$0x0]  }
0x2f: {  	v1 =	vld [tilespmem:s19+$0xFFFFFFE0];
	s17 =	sor.u32 $0x4000, s15  }
0x30: {  	s31 =	sshrl.u32 s16, $0x2;
	s16 =	sadd.s32 $0x0, s17  }
0x31: {  	s18 =	simm.s32 $0x4;
	s19 =	sadd.s32 $0x40, s19;
	s15 =	sor.u32 $0x4000, s31;
	[tilespmem:s16+$0x1830 ss:$0x81] =	vst.msk $0xffff, v3  }
.LBB1_3:
0x32: {  	v3 =	vld [tilespmem:s19+$0x10];
	p1 =	sne.s32 s18, $0x1FC;
	[tilespmem:s16+$0x810 ss:$0x81] =	vst.msk $0xffff, v2;
	s20 =	smov.u32 s18;
	s18 =	sadd.s32 $0x4, s18  }
.Ltmp3:
0x33: {  	v2 =	vld [tilespmem:s19+$0xFFFFFFF0];
	[tilespmem:s16+$0x1020 ss:$0x81] =	vst.msk $0xffff, v0;
	(pc) =	sbr.rel @p1 .LBB1_3-.Ltmp3, $4  }
0x34: {  	v0 =	vld [tilespmem:s19+$0x0];
	[tilespmem:s16+$0x0 ss:$0x81] =	vst.msk $0xffff, v1  }
0x35: {  	s16 =	sshra.s32 s20, $0x2;
	v1 =	vld [tilespmem:s19+$0xFFFFFFE0]  }
0x36: {  	s16 =	sadd.s32 s16, s17  }
0x37: {  	s19 =	sadd.s32 $0x40, s19;
	[tilespmem:s16+$0x1830 ss:$0x81] =	vst.msk $0xffff, v3  }
.Ltmp4:
0x38: {  	_ = 	snop;
	(pc) =	sbr.rel .LBB1_4-.Ltmp4, $1  }
0x39: {  	_ =	sdelay $0x3  }
.LBB1_6:
0x3a: {  	_ =	sfence.sel $0x180000  }
0x3b: {  	s2 =	simm.s32 $0x1;
	[bflag:$0x0] =	sbarrier.arrive $0xFFFF  }
0x3c: {  	s31 =	simm.s32 $0x2;
	[sflag:s2] =	ssyncpa.u1 $0x1  }
0x3d: {  	[sflag:s31] =	ssyncpa.u1 $0x1  }
0x3e: {  	p0 =	sne.s32 s0, $0x0;
	_ =	strace $0x9000004A  }
0x3f: {  	s0 =	sadd.s32 @!p0 $0x100000, s1;
	[bflag:$0x2] =	sbarrier.arrive $0xFFFF  }
0x40: {  	[sflag:s0] =	ssyncadd.tile.s32 @!p0 $0x1;
	_ =	shalt  }
.Lfunc_end1:
_tile_overlayer_lowered:
.L_overlay_start_2:
0x41: {  	(tag) =	ssettag $0x2  }
0x42: {  	s0 =	rddreg [dreg:$0x0];
	s2 =	stileid.u32  }
0x43: {  	s1 =	rddreg [dreg:$0x1];
	p0 =	sne.s32 s2, $0x0  }
0x44: {  	s3 =	rddreg [dreg:$0x2];
	[bflag:$0x3] =	sbarrier.arrive $0xFFFF;
	s2 =	simm.s32 @!p0 $0x1C01  }
0x45: {  	[timem:s3], [sflag:s2] =	dma.local @!p0 [hbm:s0], s1  }
0x46: {  	s0 =	simm.s32 @!p0 $0x1  }
0x47: {  	_ =	swait.ge @!p0 [sflag:s0], s1  }
0x48: {  	s1 =	ssub.s32 @!p0 $0x0, s1;
	[sflag:s0] =	ssyncset.done @!p0 $0x0  }
0x49: {  	[sflag:s0] =	ssyncadd.s32 @!p0 s1  }
0x4a: {  	[bflag:$0x3] =	sbarrier.arrive $0xFFFF  }
0x4b: {  	_ =	shalt  }

</sc_bundles>
